<compile_context>
chip_gen: v7x
topology: tpu7x:2x2x1
jax: 0.10.2.dev20260603
libtpu: 0.0.44.dev20260713+nightly
codegen_flags: <defaults>
</compile_context>

<pallas_src>
import jax
import jax.numpy as jnp
from jax import lax
from jax.experimental import pallas as pl
from jax.experimental.pallas import tpu as pltpu
from jax.experimental.pallas import tpu_sc as plsc

_NUM_ROWS = 64
_ROW_STRIDE = 700
_D = 256
_NC = 2
_SC_ROWS = 32
_TC_ROWS = _NUM_ROWS - _SC_ROWS
_ROWS_PER_CORE = _SC_ROWS // _NC


def _sc_body(table_hbm, out_hbm, buf_spmem, sem):
    cid = lax.axis_index("c")
    base = cid * _ROWS_PER_CORE
    copies = []
    for j in range(_ROWS_PER_CORE):
        copies.append(
            pltpu.make_async_copy(
                table_hbm.at[pl.ds((base + j) * _ROW_STRIDE, 1)],
                buf_spmem.at[pl.ds(j, 1)],
                sem,
            )
        )
    for c in copies:
        c.start()
    for c in copies:
        c.wait()
    pltpu.sync_copy(buf_spmem, out_hbm.at[pl.ds(base, _ROWS_PER_CORE)])


def _tc_body(table_hbm, out_hbm, sem):
    copies = []
    for j in range(_TC_ROWS):
        copies.append(
            pltpu.make_async_copy(
                table_hbm.at[pl.ds((_SC_ROWS + j) * _ROW_STRIDE, 1)],
                out_hbm.at[pl.ds(j, 1)],
                sem,
            )
        )
    for c in copies:
        c.start()
    for c in copies:
        c.wait()


def kernel(inputs):
    sc_half = pl.kernel(
        _sc_body,
        out_type=jax.ShapeDtypeStruct((_SC_ROWS, _D), jnp.float32),
        mesh=plsc.ScalarSubcoreMesh(axis_name="c", num_cores=_NC),
        scratch_types=[
            pltpu.VMEM_SHARED((_ROWS_PER_CORE, _D), jnp.float32),
            pltpu.SemaphoreType.DMA,
        ],
    )(inputs)
    tc_half = pl.pallas_call(
        _tc_body,
        out_shape=jax.ShapeDtypeStruct((_TC_ROWS, _D), jnp.float32),
        in_specs=[pl.BlockSpec(memory_space=pltpu.MemorySpace.HBM)],
        out_specs=pl.BlockSpec(memory_space=pltpu.MemorySpace.HBM),
        scratch_shapes=[pltpu.SemaphoreType.DMA],
    )(inputs)
    gathered = jnp.concatenate([sc_half, tc_half], axis=0)
    return jnp.reshape(gathered, (1, _NUM_ROWS * _D))

# --- scband reference (transcript-rebuilt; emitter-appended) ---
"""Pipeline reference for scband-extract-node-11776800325767 (READ-ONLY COPY).

The authoritative reference and input builder live on the scoring server;
editing this copy changes nothing except your own understanding.
"""

import jax, jax.numpy as jnp
import numpy as np

ENZYME_NODE_LABEL = jnp.array([0, 700, 1400, 2100, 2800, 3500, 4200, 4900, 5600, 6300, 7000, 7700, 8400, 9100, 9800, 10500, 11200, 11900, 12600, 13300, 14000, 14700, 15400, 16100, 16800, 17500, 18200, 18900, 19600, 20300, 21000, 21700, 22400, 23100, 23800, 24500, 25200, 25900, 26600, 27300, 28000, 28700, 29400, 30100, 30800, 31500, 32200, 32900, 33600, 34300, 35000, 35700, 36400, 37100, 37800, 38500, 39200, 39900, 40600, 41300, 42000, 42700, 43400, 44100], dtype=jnp.int32)


def setup_inputs(seed: int = 0) -> dict:
    key = jax.random.key(seed)
    inputs = jax.random.normal(key, (50000, 256), dtype=jnp.float32)
    return {"inputs": inputs}


def reference(inputs):
    # tf.gather(inputs, enzyme_node_label) along axis 0
    x = jnp.take(inputs, ENZYME_NODE_LABEL, axis=0)
    # tf.expand_dims(tf.reshape(x, [-1]), axis=0)
    x = jnp.expand_dims(jnp.reshape(x, (-1,)), axis=0)
    return x

if __name__ == "__main__":
    import jax
    _d = setup_inputs()
    print(jax.jit(kernel)(*tuple(_d.values())))

</pallas_src>

<mosaic_0001>
#map = affine_map<(d0) -> (0, 0)>
module attributes {stable_mosaic.version = 14 : i64} {
  func.func @_sc_body(%arg0: i32, %arg1: memref<50000x256xf32, #tpu.memory_space<hbm>>, %arg2: memref<32x256xf32, #tpu.memory_space<hbm>>, %arg3: memref<16x256xf32, #tpu.memory_space<vmem_shared>>, %arg4: memref<!tpu.dma_semaphore, #tpu.memory_space<semaphore_mem>>) attributes {dimension_semantics = [#tpu.dimension_semantics<core_parallel>], iteration_bounds = array<i64: 2>, scalar_prefetch = 0 : i64, scratch_operands = 2 : i64, tpu.core_type = #tpu.core_type<sc_scalar_subcore>, window_params = [{transform_indices = #map}, {transform_indices = #map}]} {
    %mul3A = arith.constant 16 : i32
    %mul3A_0 = arith.muli %arg0, %mul3A : i32
    %add3A = arith.constant 0 : i32
    %add3A_1 = arith.addi %mul3A_0, %add3A : i32
    %mul3A_2 = arith.constant 700 : i32
    %mul3A_3 = arith.muli %add3A_1, %mul3A_2 : i32
    %add3A_4 = arith.constant 1 : i32
    %add3A_5 = arith.addi %mul3A_0, %add3A_4 : i32
    %mul3A_6 = arith.constant 700 : i32
    %mul3A_7 = arith.muli %add3A_5, %mul3A_6 : i32
    %add3A_8 = arith.constant 2 : i32
    %add3A_9 = arith.addi %mul3A_0, %add3A_8 : i32
    %mul3A_10 = arith.constant 700 : i32
    %mul3A_11 = arith.muli %add3A_9, %mul3A_10 : i32
    %add3A_12 = arith.constant 3 : i32
    %add3A_13 = arith.addi %mul3A_0, %add3A_12 : i32
    %mul3A_14 = arith.constant 700 : i32
    %mul3A_15 = arith.muli %add3A_13, %mul3A_14 : i32
    %add3A_16 = arith.constant 4 : i32
    %add3A_17 = arith.addi %mul3A_0, %add3A_16 : i32
    %mul3A_18 = arith.constant 700 : i32
    %mul3A_19 = arith.muli %add3A_17, %mul3A_18 : i32
    %add3A_20 = arith.constant 5 : i32
    %add3A_21 = arith.addi %mul3A_0, %add3A_20 : i32
    %mul3A_22 = arith.constant 700 : i32
    %mul3A_23 = arith.muli %add3A_21, %mul3A_22 : i32
    %add3A_24 = arith.constant 6 : i32
    %add3A_25 = arith.addi %mul3A_0, %add3A_24 : i32
    %mul3A_26 = arith.constant 700 : i32
    %mul3A_27 = arith.muli %add3A_25, %mul3A_26 : i32
    %add3A_28 = arith.constant 7 : i32
    %add3A_29 = arith.addi %mul3A_0, %add3A_28 : i32
    %mul3A_30 = arith.constant 700 : i32
    %mul3A_31 = arith.muli %add3A_29, %mul3A_30 : i32
    %add3A_32 = arith.constant 8 : i32
    %add3A_33 = arith.addi %mul3A_0, %add3A_32 : i32
    %mul3A_34 = arith.constant 700 : i32
    %mul3A_35 = arith.muli %add3A_33, %mul3A_34 : i32
    %add3A_36 = arith.constant 9 : i32
    %add3A_37 = arith.addi %mul3A_0, %add3A_36 : i32
    %mul3A_38 = arith.constant 700 : i32
    %mul3A_39 = arith.muli %add3A_37, %mul3A_38 : i32
    %add3A_40 = arith.constant 10 : i32
    %add3A_41 = arith.addi %mul3A_0, %add3A_40 : i32
    %mul3A_42 = arith.constant 700 : i32
    %mul3A_43 = arith.muli %add3A_41, %mul3A_42 : i32
    %add3A_44 = arith.constant 11 : i32
    %add3A_45 = arith.addi %mul3A_0, %add3A_44 : i32
    %mul3A_46 = arith.constant 700 : i32
    %mul3A_47 = arith.muli %add3A_45, %mul3A_46 : i32
    %add3A_48 = arith.constant 12 : i32
    %add3A_49 = arith.addi %mul3A_0, %add3A_48 : i32
    %mul3A_50 = arith.constant 700 : i32
    %mul3A_51 = arith.muli %add3A_49, %mul3A_50 : i32
    %add3A_52 = arith.constant 13 : i32
    %add3A_53 = arith.addi %mul3A_0, %add3A_52 : i32
    %mul3A_54 = arith.constant 700 : i32
    %mul3A_55 = arith.muli %add3A_53, %mul3A_54 : i32
    %add3A_56 = arith.constant 14 : i32
    %add3A_57 = arith.addi %mul3A_0, %add3A_56 : i32
    %mul3A_58 = arith.constant 700 : i32
    %mul3A_59 = arith.muli %add3A_57, %mul3A_58 : i32
    %add3A_60 = arith.constant 15 : i32
    %add3A_61 = arith.addi %mul3A_0, %add3A_60 : i32
    %mul3A_62 = arith.constant 700 : i32
    %mul3A_63 = arith.muli %add3A_61, %mul3A_62 : i32
    %dma_start3A = arith.constant 0 : i32
    %dma_start3A_64 = arith.constant 0 : i32
    %dma_start3A_65 = tpu.memref_slice %arg3[%dma_start3A, %dma_start3A_64] : memref<16x256xf32, #tpu.memory_space<vmem_shared>> -> memref<1x256xf32, #tpu.memory_space<vmem_shared>>
    %dma_start3A_66 = arith.constant 0 : i32
    %dma_start3A_67 = tpu.memref_slice %arg1[%mul3A_3, %dma_start3A_66] : memref<50000x256xf32, #tpu.memory_space<hbm>> -> memref<1x256xf32, #tpu.memory_space<hbm>>
    tpu.enqueue_dma source(%dma_start3A_67 : memref<1x256xf32, #tpu.memory_space<hbm>>) target(%dma_start3A_65 : memref<1x256xf32, #tpu.memory_space<vmem_shared>>) target_semaphore(%arg4 : memref<!tpu.dma_semaphore, #tpu.memory_space<semaphore_mem>>)
    %dma_start3A_68 = arith.constant 1 : i32
    %dma_start3A_69 = arith.constant 0 : i32
    %dma_start3A_70 = tpu.memref_slice %arg3[%dma_start3A_68, %dma_start3A_69] : memref<16x256xf32, #tpu.memory_space<vmem_shared>> -> memref<1x256xf32, #tpu.memory_space<vmem_shared>>
    %dma_start3A_71 = arith.constant 0 : i32
    %dma_start3A_72 = tpu.memref_slice %arg1[%mul3A_7, %dma_start3A_71] : memref<50000x256xf32, #tpu.memory_space<hbm>> -> memref<1x256xf32, #tpu.memory_space<hbm>>
    tpu.enqueue_dma source(%dma_start3A_72 : memref<1x256xf32, #tpu.memory_space<hbm>>) target(%dma_start3A_70 : memref<1x256xf32, #tpu.memory_space<vmem_shared>>) target_semaphore(%arg4 : memref<!tpu.dma_semaphore, #tpu.memory_space<semaphore_mem>>)
    %dma_start3A_73 = arith.constant 2 : i32
    %dma_start3A_74 = arith.constant 0 : i32
    %dma_start3A_75 = tpu.memref_slice %arg3[%dma_start3A_73, %dma_start3A_74] : memref<16x256xf32, #tpu.memory_space<vmem_shared>> -> memref<1x256xf32, #tpu.memory_space<vmem_shared>>
    %dma_start3A_76 = arith.constant 0 : i32
    %dma_start3A_77 = tpu.memref_slice %arg1[%mul3A_11, %dma_start3A_76] : memref<50000x256xf32, #tpu.memory_space<hbm>> -> memref<1x256xf32, #tpu.memory_space<hbm>>
    tpu.enqueue_dma source(%dma_start3A_77 : memref<1x256xf32, #tpu.memory_space<hbm>>) target(%dma_start3A_75 : memref<1x256xf32, #tpu.memory_space<vmem_shared>>) target_semaphore(%arg4 : memref<!tpu.dma_semaphore, #tpu.memory_space<semaphore_mem>>)
    %dma_start3A_78 = arith.constant 3 : i32
    %dma_start3A_79 = arith.constant 0 : i32
    %dma_start3A_80 = tpu.memref_slice %arg3[%dma_start3A_78, %dma_start3A_79] : memref<16x256xf32, #tpu.memory_space<vmem_shared>> -> memref<1x256xf32, #tpu.memory_space<vmem_shared>>
    %dma_start3A_81 = arith.constant 0 : i32
    %dma_start3A_82 = tpu.memref_slice %arg1[%mul3A_15, %dma_start3A_81] : memref<50000x256xf32, #tpu.memory_space<hbm>> -> memref<1x256xf32, #tpu.memory_space<hbm>>
    tpu.enqueue_dma source(%dma_start3A_82 : memref<1x256xf32, #tpu.memory_space<hbm>>) target(%dma_start3A_80 : memref<1x256xf32, #tpu.memory_space<vmem_shared>>) target_semaphore(%arg4 : memref<!tpu.dma_semaphore, #tpu.memory_space<semaphore_mem>>)
    %dma_start3A_83 = arith.constant 4 : i32
    %dma_start3A_84 = arith.constant 0 : i32
    %dma_start3A_85 = tpu.memref_slice %arg3[%dma_start3A_83, %dma_start3A_84] : memref<16x256xf32, #tpu.memory_space<vmem_shared>> -> memref<1x256xf32, #tpu.memory_space<vmem_shared>>
    %dma_start3A_86 = arith.constant 0 : i32
    %dma_start3A_87 = tpu.memref_slice %arg1[%mul3A_19, %dma_start3A_86] : memref<50000x256xf32, #tpu.memory_space<hbm>> -> memref<1x256xf32, #tpu.memory_space<hbm>>
    tpu.enqueue_dma source(%dma_start3A_87 : memref<1x256xf32, #tpu.memory_space<hbm>>) target(%dma_start3A_85 : memref<1x256xf32, #tpu.memory_space<vmem_shared>>) target_semaphore(%arg4 : memref<!tpu.dma_semaphore, #tpu.memory_space<semaphore_mem>>)
    %dma_start3A_88 = arith.constant 5 : i32
    %dma_start3A_89 = arith.constant 0 : i32
    %dma_start3A_90 = tpu.memref_slice %arg3[%dma_start3A_88, %dma_start3A_89] : memref<16x256xf32, #tpu.memory_space<vmem_shared>> -> memref<1x256xf32, #tpu.memory_space<vmem_shared>>
    %dma_start3A_91 = arith.constant 0 : i32
    %dma_start3A_92 = tpu.memref_slice %arg1[%mul3A_23, %dma_start3A_91] : memref<50000x256xf32, #tpu.memory_space<hbm>> -> memref<1x256xf32, #tpu.memory_space<hbm>>
    tpu.enqueue_dma source(%dma_start3A_92 : memref<1x256xf32, #tpu.memory_space<hbm>>) target(%dma_start3A_90 : memref<1x256xf32, #tpu.memory_space<vmem_shared>>) target_semaphore(%arg4 : memref<!tpu.dma_semaphore, #tpu.memory_space<semaphore_mem>>)
    %dma_start3A_93 = arith.constant 6 : i32
    %dma_start3A_94 = arith.constant 0 : i32
    %dma_start3A_95 = tpu.memref_slice %arg3[%dma_start3A_93, %dma_start3A_94] : memref<16x256xf32, #tpu.memory_space<vmem_shared>> -> memref<1x256xf32, #tpu.memory_space<vmem_shared>>
    %dma_start3A_96 = arith.constant 0 : i32
    %dma_start3A_97 = tpu.memref_slice %arg1[%mul3A_27, %dma_start3A_96] : memref<50000x256xf32, #tpu.memory_space<hbm>> -> memref<1x256xf32, #tpu.memory_space<hbm>>
    tpu.enqueue_dma source(%dma_start3A_97 : memref<1x256xf32, #tpu.memory_space<hbm>>) target(%dma_start3A_95 : memref<1x256xf32, #tpu.memory_space<vmem_shared>>) target_semaphore(%arg4 : memref<!tpu.dma_semaphore, #tpu.memory_space<semaphore_mem>>)
    %dma_start3A_98 = arith.constant 7 : i32
    %dma_start3A_99 = arith.constant 0 : i32
    %dma_start3A_100 = tpu.memref_slice %arg3[%dma_start3A_98, %dma_start3A_99] : memref<16x256xf32, #tpu.memory_space<vmem_shared>> -> memref<1x256xf32, #tpu.memory_space<vmem_shared>>
    %dma_start3A_101 = arith.constant 0 : i32
    %dma_start3A_102 = tpu.memref_slice %arg1[%mul3A_31, %dma_start3A_101] : memref<50000x256xf32, #tpu.memory_space<hbm>> -> memref<1x256xf32, #tpu.memory_space<hbm>>
    tpu.enqueue_dma source(%dma_start3A_102 : memref<1x256xf32, #tpu.memory_space<hbm>>) target(%dma_start3A_100 : memref<1x256xf32, #tpu.memory_space<vmem_shared>>) target_semaphore(%arg4 : memref<!tpu.dma_semaphore, #tpu.memory_space<semaphore_mem>>)
    %dma_start3A_103 = arith.constant 8 : i32
    %dma_start3A_104 = arith.constant 0 : i32
    %dma_start3A_105 = tpu.memref_slice %arg3[%dma_start3A_103, %dma_start3A_104] : memref<16x256xf32, #tpu.memory_space<vmem_shared>> -> memref<1x256xf32, #tpu.memory_space<vmem_shared>>
    %dma_start3A_106 = arith.constant 0 : i32
    %dma_start3A_107 = tpu.memref_slice %arg1[%mul3A_35, %dma_start3A_106] : memref<50000x256xf32, #tpu.memory_space<hbm>> -> memref<1x256xf32, #tpu.memory_space<hbm>>
    tpu.enqueue_dma source(%dma_start3A_107 : memref<1x256xf32, #tpu.memory_space<hbm>>) target(%dma_start3A_105 : memref<1x256xf32, #tpu.memory_space<vmem_shared>>) target_semaphore(%arg4 : memref<!tpu.dma_semaphore, #tpu.memory_space<semaphore_mem>>)
    %dma_start3A_108 = arith.constant 9 : i32
    %dma_start3A_109 = arith.constant 0 : i32
    %dma_start3A_110 = tpu.memref_slice %arg3[%dma_start3A_108, %dma_start3A_109] : memref<16x256xf32, #tpu.memory_space<vmem_shared>> -> memref<1x256xf32, #tpu.memory_space<vmem_shared>>
    %dma_start3A_111 = arith.constant 0 : i32
    %dma_start3A_112 = tpu.memref_slice %arg1[%mul3A_39, %dma_start3A_111] : memref<50000x256xf32, #tpu.memory_space<hbm>> -> memref<1x256xf32, #tpu.memory_space<hbm>>
    tpu.enqueue_dma source(%dma_start3A_112 : memref<1x256xf32, #tpu.memory_space<hbm>>) target(%dma_start3A_110 : memref<1x256xf32, #tpu.memory_space<vmem_shared>>) target_semaphore(%arg4 : memref<!tpu.dma_semaphore, #tpu.memory_space<semaphore_mem>>)
    %dma_start3A_113 = arith.constant 10 : i32
    %dma_start3A_114 = arith.constant 0 : i32
    %dma_start3A_115 = tpu.memref_slice %arg3[%dma_start3A_113, %dma_start3A_114] : memref<16x256xf32, #tpu.memory_space<vmem_shared>> -> memref<1x256xf32, #tpu.memory_space<vmem_shared>>
    %dma_start3A_116 = arith.constant 0 : i32
    %dma_start3A_117 = tpu.memref_slice %arg1[%mul3A_43, %dma_start3A_116] : memref<50000x256xf32, #tpu.memory_space<hbm>> -> memref<1x256xf32, #tpu.memory_space<hbm>>
    tpu.enqueue_dma source(%dma_start3A_117 : memref<1x256xf32, #tpu.memory_space<hbm>>) target(%dma_start3A_115 : memref<1x256xf32, #tpu.memory_space<vmem_shared>>) target_semaphore(%arg4 : memref<!tpu.dma_semaphore, #tpu.memory_space<semaphore_mem>>)
    %dma_start3A_118 = arith.constant 11 : i32
    %dma_start3A_119 = arith.constant 0 : i32
    %dma_start3A_120 = tpu.memref_slice %arg3[%dma_start3A_118, %dma_start3A_119] : memref<16x256xf32, #tpu.memory_space<vmem_shared>> -> memref<1x256xf32, #tpu.memory_space<vmem_shared>>
    %dma_start3A_121 = arith.constant 0 : i32
    %dma_start3A_122 = tpu.memref_slice %arg1[%mul3A_47, %dma_start3A_121] : memref<50000x256xf32, #tpu.memory_space<hbm>> -> memref<1x256xf32, #tpu.memory_space<hbm>>
    tpu.enqueue_dma source(%dma_start3A_122 : memref<1x256xf32, #tpu.memory_space<hbm>>) target(%dma_start3A_120 : memref<1x256xf32, #tpu.memory_space<vmem_shared>>) target_semaphore(%arg4 : memref<!tpu.dma_semaphore, #tpu.memory_space<semaphore_mem>>)
    %dma_start3A_123 = arith.constant 12 : i32
    %dma_start3A_124 = arith.constant 0 : i32
    %dma_start3A_125 = tpu.memref_slice %arg3[%dma_start3A_123, %dma_start3A_124] : memref<16x256xf32, #tpu.memory_space<vmem_shared>> -> memref<1x256xf32, #tpu.memory_space<vmem_shared>>
    %dma_start3A_126 = arith.constant 0 : i32
    %dma_start3A_127 = tpu.memref_slice %arg1[%mul3A_51, %dma_start3A_126] : memref<50000x256xf32, #tpu.memory_space<hbm>> -> memref<1x256xf32, #tpu.memory_space<hbm>>
    tpu.enqueue_dma source(%dma_start3A_127 : memref<1x256xf32, #tpu.memory_space<hbm>>) target(%dma_start3A_125 : memref<1x256xf32, #tpu.memory_space<vmem_shared>>) target_semaphore(%arg4 : memref<!tpu.dma_semaphore, #tpu.memory_space<semaphore_mem>>)
    %dma_start3A_128 = arith.constant 13 : i32
    %dma_start3A_129 = arith.constant 0 : i32
    %dma_start3A_130 = tpu.memref_slice %arg3[%dma_start3A_128, %dma_start3A_129] : memref<16x256xf32, #tpu.memory_space<vmem_shared>> -> memref<1x256xf32, #tpu.memory_space<vmem_shared>>
    %dma_start3A_131 = arith.constant 0 : i32
    %dma_start3A_132 = tpu.memref_slice %arg1[%mul3A_55, %dma_start3A_131] : memref<50000x256xf32, #tpu.memory_space<hbm>> -> memref<1x256xf32, #tpu.memory_space<hbm>>
    tpu.enqueue_dma source(%dma_start3A_132 : memref<1x256xf32, #tpu.memory_space<hbm>>) target(%dma_start3A_130 : memref<1x256xf32, #tpu.memory_space<vmem_shared>>) target_semaphore(%arg4 : memref<!tpu.dma_semaphore, #tpu.memory_space<semaphore_mem>>)
    %dma_start3A_133 = arith.constant 14 : i32
    %dma_start3A_134 = arith.constant 0 : i32
    %dma_start3A_135 = tpu.memref_slice %arg3[%dma_start3A_133, %dma_start3A_134] : memref<16x256xf32, #tpu.memory_space<vmem_shared>> -> memref<1x256xf32, #tpu.memory_space<vmem_shared>>
    %dma_start3A_136 = arith.constant 0 : i32
    %dma_start3A_137 = tpu.memref_slice %arg1[%mul3A_59, %dma_start3A_136] : memref<50000x256xf32, #tpu.memory_space<hbm>> -> memref<1x256xf32, #tpu.memory_space<hbm>>
    tpu.enqueue_dma source(%dma_start3A_137 : memref<1x256xf32, #tpu.memory_space<hbm>>) target(%dma_start3A_135 : memref<1x256xf32, #tpu.memory_space<vmem_shared>>) target_semaphore(%arg4 : memref<!tpu.dma_semaphore, #tpu.memory_space<semaphore_mem>>)
    %dma_start3A_138 = arith.constant 15 : i32
    %dma_start3A_139 = arith.constant 0 : i32
    %dma_start3A_140 = tpu.memref_slice %arg3[%dma_start3A_138, %dma_start3A_139] : memref<16x256xf32, #tpu.memory_space<vmem_shared>> -> memref<1x256xf32, #tpu.memory_space<vmem_shared>>
    %dma_start3A_141 = arith.constant 0 : i32
    %dma_start3A_142 = tpu.memref_slice %arg1[%mul3A_63, %dma_start3A_141] : memref<50000x256xf32, #tpu.memory_space<hbm>> -> memref<1x256xf32, #tpu.memory_space<hbm>>
    tpu.enqueue_dma source(%dma_start3A_142 : memref<1x256xf32, #tpu.memory_space<hbm>>) target(%dma_start3A_140 : memref<1x256xf32, #tpu.memory_space<vmem_shared>>) target_semaphore(%arg4 : memref<!tpu.dma_semaphore, #tpu.memory_space<semaphore_mem>>)
    %dma_wait3A = arith.constant 0 : i32
    %dma_wait3A_143 = arith.constant 0 : i32
    %dma_wait3A_144 = tpu.memref_slice %arg3[%dma_wait3A, %dma_wait3A_143] : memref<16x256xf32, #tpu.memory_space<vmem_shared>> -> memref<1x256xf32, #tpu.memory_space<vmem_shared>>
    %dma_wait3A_145 = arith.constant 0 : i32
    %dma_wait3A_146 = tpu.memref_slice %arg1[%mul3A_3, %dma_wait3A_145] : memref<50000x256xf32, #tpu.memory_space<hbm>> -> memref<1x256xf32, #tpu.memory_space<hbm>>
    tpu.wait_dma2 semaphore(%arg4 : memref<!tpu.dma_semaphore, #tpu.memory_space<semaphore_mem>>) src(%dma_wait3A_146 : memref<1x256xf32, #tpu.memory_space<hbm>>) dst(%dma_wait3A_144 : memref<1x256xf32, #tpu.memory_space<vmem_shared>>)
    %dma_wait3A_147 = arith.constant 1 : i32
    %dma_wait3A_148 = arith.constant 0 : i32
    %dma_wait3A_149 = tpu.memref_slice %arg3[%dma_wait3A_147, %dma_wait3A_148] : memref<16x256xf32, #tpu.memory_space<vmem_shared>> -> memref<1x256xf32, #tpu.memory_space<vmem_shared>>
    %dma_wait3A_150 = arith.constant 0 : i32
    %dma_wait3A_151 = tpu.memref_slice %arg1[%mul3A_7, %dma_wait3A_150] : memref<50000x256xf32, #tpu.memory_space<hbm>> -> memref<1x256xf32, #tpu.memory_space<hbm>>
    tpu.wait_dma2 semaphore(%arg4 : memref<!tpu.dma_semaphore, #tpu.memory_space<semaphore_mem>>) src(%dma_wait3A_151 : memref<1x256xf32, #tpu.memory_space<hbm>>) dst(%dma_wait3A_149 : memref<1x256xf32, #tpu.memory_space<vmem_shared>>)
    %dma_wait3A_152 = arith.constant 2 : i32
    %dma_wait3A_153 = arith.constant 0 : i32
    %dma_wait3A_154 = tpu.memref_slice %arg3[%dma_wait3A_152, %dma_wait3A_153] : memref<16x256xf32, #tpu.memory_space<vmem_shared>> -> memref<1x256xf32, #tpu.memory_space<vmem_shared>>
    %dma_wait3A_155 = arith.constant 0 : i32
    %dma_wait3A_156 = tpu.memref_slice %arg1[%mul3A_11, %dma_wait3A_155] : memref<50000x256xf32, #tpu.memory_space<hbm>> -> memref<1x256xf32, #tpu.memory_space<hbm>>
    tpu.wait_dma2 semaphore(%arg4 : memref<!tpu.dma_semaphore, #tpu.memory_space<semaphore_mem>>) src(%dma_wait3A_156 : memref<1x256xf32, #tpu.memory_space<hbm>>) dst(%dma_wait3A_154 : memref<1x256xf32, #tpu.memory_space<vmem_shared>>)
    %dma_wait3A_157 = arith.constant 3 : i32
    %dma_wait3A_158 = arith.constant 0 : i32
    %dma_wait3A_159 = tpu.memref_slice %arg3[%dma_wait3A_157, %dma_wait3A_158] : memref<16x256xf32, #tpu.memory_space<vmem_shared>> -> memref<1x256xf32, #tpu.memory_space<vmem_shared>>
    %dma_wait3A_160 = arith.constant 0 : i32
    %dma_wait3A_161 = tpu.memref_slice %arg1[%mul3A_15, %dma_wait3A_160] : memref<50000x256xf32, #tpu.memory_space<hbm>> -> memref<1x256xf32, #tpu.memory_space<hbm>>
    tpu.wait_dma2 semaphore(%arg4 : memref<!tpu.dma_semaphore, #tpu.memory_space<semaphore_mem>>) src(%dma_wait3A_161 : memref<1x256xf32, #tpu.memory_space<hbm>>) dst(%dma_wait3A_159 : memref<1x256xf32, #tpu.memory_space<vmem_shared>>)
    %dma_wait3A_162 = arith.constant 4 : i32
    %dma_wait3A_163 = arith.constant 0 : i32
    %dma_wait3A_164 = tpu.memref_slice %arg3[%dma_wait3A_162, %dma_wait3A_163] : memref<16x256xf32, #tpu.memory_space<vmem_shared>> -> memref<1x256xf32, #tpu.memory_space<vmem_shared>>
    %dma_wait3A_165 = arith.constant 0 : i32
    %dma_wait3A_166 = tpu.memref_slice %arg1[%mul3A_19, %dma_wait3A_165] : memref<50000x256xf32, #tpu.memory_space<hbm>> -> memref<1x256xf32, #tpu.memory_space<hbm>>
    tpu.wait_dma2 semaphore(%arg4 : memref<!tpu.dma_semaphore, #tpu.memory_space<semaphore_mem>>) src(%dma_wait3A_166 : memref<1x256xf32, #tpu.memory_space<hbm>>) dst(%dma_wait3A_164 : memref<1x256xf32, #tpu.memory_space<vmem_shared>>)
    %dma_wait3A_167 = arith.constant 5 : i32
    %dma_wait3A_168 = arith.constant 0 : i32
    %dma_wait3A_169 = tpu.memref_slice %arg3[%dma_wait3A_167, %dma_wait3A_168] : memref<16x256xf32, #tpu.memory_space<vmem_shared>> -> memref<1x256xf32, #tpu.memory_space<vmem_shared>>
    %dma_wait3A_170 = arith.constant 0 : i32
    %dma_wait3A_171 = tpu.memref_slice %arg1[%mul3A_23, %dma_wait3A_170] : memref<50000x256xf32, #tpu.memory_space<hbm>> -> memref<1x256xf32, #tpu.memory_space<hbm>>
    tpu.wait_dma2 semaphore(%arg4 : memref<!tpu.dma_semaphore, #tpu.memory_space<semaphore_mem>>) src(%dma_wait3A_171 : memref<1x256xf32, #tpu.memory_space<hbm>>) dst(%dma_wait3A_169 : memref<1x256xf32, #tpu.memory_space<vmem_shared>>)
    %dma_wait3A_172 = arith.constant 6 : i32
    %dma_wait3A_173 = arith.constant 0 : i32
    %dma_wait3A_174 = tpu.memref_slice %arg3[%dma_wait3A_172, %dma_wait3A_173] : memref<16x256xf32, #tpu.memory_space<vmem_shared>> -> memref<1x256xf32, #tpu.memory_space<vmem_shared>>
    %dma_wait3A_175 = arith.constant 0 : i32
    %dma_wait3A_176 = tpu.memref_slice %arg1[%mul3A_27, %dma_wait3A_175] : memref<50000x256xf32, #tpu.memory_space<hbm>> -> memref<1x256xf32, #tpu.memory_space<hbm>>
    tpu.wait_dma2 semaphore(%arg4 : memref<!tpu.dma_semaphore, #tpu.memory_space<semaphore_mem>>) src(%dma_wait3A_176 : memref<1x256xf32, #tpu.memory_space<hbm>>) dst(%dma_wait3A_174 : memref<1x256xf32, #tpu.memory_space<vmem_shared>>)
    %dma_wait3A_177 = arith.constant 7 : i32
    %dma_wait3A_178 = arith.constant 0 : i32
    %dma_wait3A_179 = tpu.memref_slice %arg3[%dma_wait3A_177, %dma_wait3A_178] : memref<16x256xf32, #tpu.memory_space<vmem_shared>> -> memref<1x256xf32, #tpu.memory_space<vmem_shared>>
    %dma_wait3A_180 = arith.constant 0 : i32
    %dma_wait3A_181 = tpu.memref_slice %arg1[%mul3A_31, %dma_wait3A_180] : memref<50000x256xf32, #tpu.memory_space<hbm>> -> memref<1x256xf32, #tpu.memory_space<hbm>>
    tpu.wait_dma2 semaphore(%arg4 : memref<!tpu.dma_semaphore, #tpu.memory_space<semaphore_mem>>) src(%dma_wait3A_181 : memref<1x256xf32, #tpu.memory_space<hbm>>) dst(%dma_wait3A_179 : memref<1x256xf32, #tpu.memory_space<vmem_shared>>)
    %dma_wait3A_182 = arith.constant 8 : i32
    %dma_wait3A_183 = arith.constant 0 : i32
    %dma_wait3A_184 = tpu.memref_slice %arg3[%dma_wait3A_182, %dma_wait3A_183] : memref<16x256xf32, #tpu.memory_space<vmem_shared>> -> memref<1x256xf32, #tpu.memory_space<vmem_shared>>
    %dma_wait3A_185 = arith.constant 0 : i32
    %dma_wait3A_186 = tpu.memref_slice %arg1[%mul3A_35, %dma_wait3A_185] : memref<50000x256xf32, #tpu.memory_space<hbm>> -> memref<1x256xf32, #tpu.memory_space<hbm>>
    tpu.wait_dma2 semaphore(%arg4 : memref<!tpu.dma_semaphore, #tpu.memory_space<semaphore_mem>>) src(%dma_wait3A_186 : memref<1x256xf32, #tpu.memory_space<hbm>>) dst(%dma_wait3A_184 : memref<1x256xf32, #tpu.memory_space<vmem_shared>>)
    %dma_wait3A_187 = arith.constant 9 : i32
    %dma_wait3A_188 = arith.constant 0 : i32
    %dma_wait3A_189 = tpu.memref_slice %arg3[%dma_wait3A_187, %dma_wait3A_188] : memref<16x256xf32, #tpu.memory_space<vmem_shared>> -> memref<1x256xf32, #tpu.memory_space<vmem_shared>>
    %dma_wait3A_190 = arith.constant 0 : i32
    %dma_wait3A_191 = tpu.memref_slice %arg1[%mul3A_39, %dma_wait3A_190] : memref<50000x256xf32, #tpu.memory_space<hbm>> -> memref<1x256xf32, #tpu.memory_space<hbm>>
    tpu.wait_dma2 semaphore(%arg4 : memref<!tpu.dma_semaphore, #tpu.memory_space<semaphore_mem>>) src(%dma_wait3A_191 : memref<1x256xf32, #tpu.memory_space<hbm>>) dst(%dma_wait3A_189 : memref<1x256xf32, #tpu.memory_space<vmem_shared>>)
    %dma_wait3A_192 = arith.constant 10 : i32
    %dma_wait3A_193 = arith.constant 0 : i32
    %dma_wait3A_194 = tpu.memref_slice %arg3[%dma_wait3A_192, %dma_wait3A_193] : memref<16x256xf32, #tpu.memory_space<vmem_shared>> -> memref<1x256xf32, #tpu.memory_space<vmem_shared>>
    %dma_wait3A_195 = arith.constant 0 : i32
    %dma_wait3A_196 = tpu.memref_slice %arg1[%mul3A_43, %dma_wait3A_195] : memref<50000x256xf32, #tpu.memory_space<hbm>> -> memref<1x256xf32, #tpu.memory_space<hbm>>
    tpu.wait_dma2 semaphore(%arg4 : memref<!tpu.dma_semaphore, #tpu.memory_space<semaphore_mem>>) src(%dma_wait3A_196 : memref<1x256xf32, #tpu.memory_space<hbm>>) dst(%dma_wait3A_194 : memref<1x256xf32, #tpu.memory_space<vmem_shared>>)
    %dma_wait3A_197 = arith.constant 11 : i32
    %dma_wait3A_198 = arith.constant 0 : i32
    %dma_wait3A_199 = tpu.memref_slice %arg3[%dma_wait3A_197, %dma_wait3A_198] : memref<16x256xf32, #tpu.memory_space<vmem_shared>> -> memref<1x256xf32, #tpu.memory_space<vmem_shared>>
    %dma_wait3A_200 = arith.constant 0 : i32
    %dma_wait3A_201 = tpu.memref_slice %arg1[%mul3A_47, %dma_wait3A_200] : memref<50000x256xf32, #tpu.memory_space<hbm>> -> memref<1x256xf32, #tpu.memory_space<hbm>>
    tpu.wait_dma2 semaphore(%arg4 : memref<!tpu.dma_semaphore, #tpu.memory_space<semaphore_mem>>) src(%dma_wait3A_201 : memref<1x256xf32, #tpu.memory_space<hbm>>) dst(%dma_wait3A_199 : memref<1x256xf32, #tpu.memory_space<vmem_shared>>)
    %dma_wait3A_202 = arith.constant 12 : i32
    %dma_wait3A_203 = arith.constant 0 : i32
    %dma_wait3A_204 = tpu.memref_slice %arg3[%dma_wait3A_202, %dma_wait3A_203] : memref<16x256xf32, #tpu.memory_space<vmem_shared>> -> memref<1x256xf32, #tpu.memory_space<vmem_shared>>
    %dma_wait3A_205 = arith.constant 0 : i32
    %dma_wait3A_206 = tpu.memref_slice %arg1[%mul3A_51, %dma_wait3A_205] : memref<50000x256xf32, #tpu.memory_space<hbm>> -> memref<1x256xf32, #tpu.memory_space<hbm>>
    tpu.wait_dma2 semaphore(%arg4 : memref<!tpu.dma_semaphore, #tpu.memory_space<semaphore_mem>>) src(%dma_wait3A_206 : memref<1x256xf32, #tpu.memory_space<hbm>>) dst(%dma_wait3A_204 : memref<1x256xf32, #tpu.memory_space<vmem_shared>>)
    %dma_wait3A_207 = arith.constant 13 : i32
    %dma_wait3A_208 = arith.constant 0 : i32
    %dma_wait3A_209 = tpu.memref_slice %arg3[%dma_wait3A_207, %dma_wait3A_208] : memref<16x256xf32, #tpu.memory_space<vmem_shared>> -> memref<1x256xf32, #tpu.memory_space<vmem_shared>>
    %dma_wait3A_210 = arith.constant 0 : i32
    %dma_wait3A_211 = tpu.memref_slice %arg1[%mul3A_55, %dma_wait3A_210] : memref<50000x256xf32, #tpu.memory_space<hbm>> -> memref<1x256xf32, #tpu.memory_space<hbm>>
    tpu.wait_dma2 semaphore(%arg4 : memref<!tpu.dma_semaphore, #tpu.memory_space<semaphore_mem>>) src(%dma_wait3A_211 : memref<1x256xf32, #tpu.memory_space<hbm>>) dst(%dma_wait3A_209 : memref<1x256xf32, #tpu.memory_space<vmem_shared>>)
    %dma_wait3A_212 = arith.constant 14 : i32
    %dma_wait3A_213 = arith.constant 0 : i32
    %dma_wait3A_214 = tpu.memref_slice %arg3[%dma_wait3A_212, %dma_wait3A_213] : memref<16x256xf32, #tpu.memory_space<vmem_shared>> -> memref<1x256xf32, #tpu.memory_space<vmem_shared>>
    %dma_wait3A_215 = arith.constant 0 : i32
    %dma_wait3A_216 = tpu.memref_slice %arg1[%mul3A_59, %dma_wait3A_215] : memref<50000x256xf32, #tpu.memory_space<hbm>> -> memref<1x256xf32, #tpu.memory_space<hbm>>
    tpu.wait_dma2 semaphore(%arg4 : memref<!tpu.dma_semaphore, #tpu.memory_space<semaphore_mem>>) src(%dma_wait3A_216 : memref<1x256xf32, #tpu.memory_space<hbm>>) dst(%dma_wait3A_214 : memref<1x256xf32, #tpu.memory_space<vmem_shared>>)
    %dma_wait3A_217 = arith.constant 15 : i32
    %dma_wait3A_218 = arith.constant 0 : i32
    %dma_wait3A_219 = tpu.memref_slice %arg3[%dma_wait3A_217, %dma_wait3A_218] : memref<16x256xf32, #tpu.memory_space<vmem_shared>> -> memref<1x256xf32, #tpu.memory_space<vmem_shared>>
    %dma_wait3A_220 = arith.constant 0 : i32
    %dma_wait3A_221 = tpu.memref_slice %arg1[%mul3A_63, %dma_wait3A_220] : memref<50000x256xf32, #tpu.memory_space<hbm>> -> memref<1x256xf32, #tpu.memory_space<hbm>>
    tpu.wait_dma2 semaphore(%arg4 : memref<!tpu.dma_semaphore, #tpu.memory_space<semaphore_mem>>) src(%dma_wait3A_221 : memref<1x256xf32, #tpu.memory_space<hbm>>) dst(%dma_wait3A_219 : memref<1x256xf32, #tpu.memory_space<vmem_shared>>)
    "tpu.region"() ({
      %run_scoped3A = tpu.sem_alloc : memref<!tpu.dma_semaphore, #tpu.memory_space<semaphore_mem>>
      %dma_start3A_222 = arith.constant 0 : i32
      %dma_start3A_223 = tpu.memref_slice %arg2[%mul3A_0, %dma_start3A_222] : memref<32x256xf32, #tpu.memory_space<hbm>> -> memref<16x256xf32, #tpu.memory_space<hbm>>
      tpu.enqueue_dma source(%arg3 : memref<16x256xf32, #tpu.memory_space<vmem_shared>>) target(%dma_start3A_223 : memref<16x256xf32, #tpu.memory_space<hbm>>) target_semaphore(%run_scoped3A : memref<!tpu.dma_semaphore, #tpu.memory_space<semaphore_mem>>)
      %dma_wait3A_224 = arith.constant 0 : i32
      %dma_wait3A_225 = tpu.memref_slice %arg2[%mul3A_0, %dma_wait3A_224] : memref<32x256xf32, #tpu.memory_space<hbm>> -> memref<16x256xf32, #tpu.memory_space<hbm>>
      tpu.wait_dma2 semaphore(%run_scoped3A : memref<!tpu.dma_semaphore, #tpu.memory_space<semaphore_mem>>) src(%arg3 : memref<16x256xf32, #tpu.memory_space<vmem_shared>>) dst(%dma_wait3A_225 : memref<16x256xf32, #tpu.memory_space<hbm>>)
      tpu.yield
    }) : () -> ()
    return
  }
}

module attributes {stable_mosaic.version = 14 : i64} {
  func.func @_tc_body(%arg0: memref<50000x256xf32, #tpu.memory_space<hbm>>, %arg1: memref<32x256xf32, #tpu.memory_space<hbm>>, %arg2: memref<!tpu.dma_semaphore, #tpu.memory_space<semaphore_mem>>) attributes {dimension_semantics = [], scalar_prefetch = 0 : i64, scratch_operands = 1 : i64, tpu.core_type = #tpu.core_type<tc>} {
    %dma_start3A = arith.constant 0 : i32
    %dma_start3A_0 = arith.constant 0 : i32
    %dma_start3A_1 = tpu.memref_slice %arg1[%dma_start3A, %dma_start3A_0] : memref<32x256xf32, #tpu.memory_space<hbm>> -> memref<1x256xf32, #tpu.memory_space<hbm>>
    %dma_start3A_2 = arith.constant 22400 : i32
    %dma_start3A_3 = arith.constant 0 : i32
    %dma_start3A_4 = tpu.memref_slice %arg0[%dma_start3A_2, %dma_start3A_3] : memref<50000x256xf32, #tpu.memory_space<hbm>> -> memref<1x256xf32, #tpu.memory_space<hbm>>
    tpu.enqueue_dma source(%dma_start3A_4 : memref<1x256xf32, #tpu.memory_space<hbm>>) target(%dma_start3A_1 : memref<1x256xf32, #tpu.memory_space<hbm>>) target_semaphore(%arg2 : memref<!tpu.dma_semaphore, #tpu.memory_space<semaphore_mem>>)
    %dma_start3A_5 = arith.constant 1 : i32
    %dma_start3A_6 = arith.constant 0 : i32
    %dma_start3A_7 = tpu.memref_slice %arg1[%dma_start3A_5, %dma_start3A_6] : memref<32x256xf32, #tpu.memory_space<hbm>> -> memref<1x256xf32, #tpu.memory_space<hbm>>
    %dma_start3A_8 = arith.constant 23100 : i32
    %dma_start3A_9 = arith.constant 0 : i32
    %dma_start3A_10 = tpu.memref_slice %arg0[%dma_start3A_8, %dma_start3A_9] : memref<50000x256xf32, #tpu.memory_space<hbm>> -> memref<1x256xf32, #tpu.memory_space<hbm>>
    tpu.enqueue_dma source(%dma_start3A_10 : memref<1x256xf32, #tpu.memory_space<hbm>>) target(%dma_start3A_7 : memref<1x256xf32, #tpu.memory_space<hbm>>) target_semaphore(%arg2 : memref<!tpu.dma_semaphore, #tpu.memory_space<semaphore_mem>>)
    %dma_start3A_11 = arith.constant 2 : i32
    %dma_start3A_12 = arith.constant 0 : i32
    %dma_start3A_13 = tpu.memref_slice %arg1[%dma_start3A_11, %dma_start3A_12] : memref<32x256xf32, #tpu.memory_space<hbm>> -> memref<1x256xf32, #tpu.memory_space<hbm>>
    %dma_start3A_14 = arith.constant 23800 : i32
    %dma_start3A_15 = arith.constant 0 : i32
    %dma_start3A_16 = tpu.memref_slice %arg0[%dma_start3A_14, %dma_start3A_15] : memref<50000x256xf32, #tpu.memory_space<hbm>> -> memref<1x256xf32, #tpu.memory_space<hbm>>
    tpu.enqueue_dma source(%dma_start3A_16 : memref<1x256xf32, #tpu.memory_space<hbm>>) target(%dma_start3A_13 : memref<1x256xf32, #tpu.memory_space<hbm>>) target_semaphore(%arg2 : memref<!tpu.dma_semaphore, #tpu.memory_space<semaphore_mem>>)
    %dma_start3A_17 = arith.constant 3 : i32
    %dma_start3A_18 = arith.constant 0 : i32
    %dma_start3A_19 = tpu.memref_slice %arg1[%dma_start3A_17, %dma_start3A_18] : memref<32x256xf32, #tpu.memory_space<hbm>> -> memref<1x256xf32, #tpu.memory_space<hbm>>
    %dma_start3A_20 = arith.constant 24500 : i32
    %dma_start3A_21 = arith.constant 0 : i32
    %dma_start3A_22 = tpu.memref_slice %arg0[%dma_start3A_20, %dma_start3A_21] : memref<50000x256xf32, #tpu.memory_space<hbm>> -> memref<1x256xf32, #tpu.memory_space<hbm>>
    tpu.enqueue_dma source(%dma_start3A_22 : memref<1x256xf32, #tpu.memory_space<hbm>>) target(%dma_start3A_19 : memref<1x256xf32, #tpu.memory_space<hbm>>) target_semaphore(%arg2 : memref<!tpu.dma_semaphore, #tpu.memory_space<semaphore_mem>>)
    %dma_start3A_23 = arith.constant 4 : i32
    %dma_start3A_24 = arith.constant 0 : i32
    %dma_start3A_25 = tpu.memref_slice %arg1[%dma_start3A_23, %dma_start3A_24] : memref<32x256xf32, #tpu.memory_space<hbm>> -> memref<1x256xf32, #tpu.memory_space<hbm>>
    %dma_start3A_26 = arith.constant 25200 : i32
    %dma_start3A_27 = arith.constant 0 : i32
    %dma_start3A_28 = tpu.memref_slice %arg0[%dma_start3A_26, %dma_start3A_27] : memref<50000x256xf32, #tpu.memory_space<hbm>> -> memref<1x256xf32, #tpu.memory_space<hbm>>
    tpu.enqueue_dma source(%dma_start3A_28 : memref<1x256xf32, #tpu.memory_space<hbm>>) target(%dma_start3A_25 : memref<1x256xf32, #tpu.memory_space<hbm>>) target_semaphore(%arg2 : memref<!tpu.dma_semaphore, #tpu.memory_space<semaphore_mem>>)
    %dma_start3A_29 = arith.constant 5 : i32
    %dma_start3A_30 = arith.constant 0 : i32
    %dma_start3A_31 = tpu.memref_slice %arg1[%dma_start3A_29, %dma_start3A_30] : memref<32x256xf32, #tpu.memory_space<hbm>> -> memref<1x256xf32, #tpu.memory_space<hbm>>
    %dma_start3A_32 = arith.constant 25900 : i32
    %dma_start3A_33 = arith.constant 0 : i32
    %dma_start3A_34 = tpu.memref_slice %arg0[%dma_start3A_32, %dma_start3A_33] : memref<50000x256xf32, #tpu.memory_space<hbm>> -> memref<1x256xf32, #tpu.memory_space<hbm>>
    tpu.enqueue_dma source(%dma_start3A_34 : memref<1x256xf32, #tpu.memory_space<hbm>>) target(%dma_start3A_31 : memref<1x256xf32, #tpu.memory_space<hbm>>) target_semaphore(%arg2 : memref<!tpu.dma_semaphore, #tpu.memory_space<semaphore_mem>>)
    %dma_start3A_35 = arith.constant 6 : i32
    %dma_start3A_36 = arith.constant 0 : i32
    %dma_start3A_37 = tpu.memref_slice %arg1[%dma_start3A_35, %dma_start3A_36] : memref<32x256xf32, #tpu.memory_space<hbm>> -> memref<1x256xf32, #tpu.memory_space<hbm>>
    %dma_start3A_38 = arith.constant 26600 : i32
    %dma_start3A_39 = arith.constant 0 : i32
    %dma_start3A_40 = tpu.memref_slice %arg0[%dma_start3A_38, %dma_start3A_39] : memref<50000x256xf32, #tpu.memory_space<hbm>> -> memref<1x256xf32, #tpu.memory_space<hbm>>
    tpu.enqueue_dma source(%dma_start3A_40 : memref<1x256xf32, #tpu.memory_space<hbm>>) target(%dma_start3A_37 : memref<1x256xf32, #tpu.memory_space<hbm>>) target_semaphore(%arg2 : memref<!tpu.dma_semaphore, #tpu.memory_space<semaphore_mem>>)
    %dma_start3A_41 = arith.constant 7 : i32
    %dma_start3A_42 = arith.constant 0 : i32
    %dma_start3A_43 = tpu.memref_slice %arg1[%dma_start3A_41, %dma_start3A_42] : memref<32x256xf32, #tpu.memory_space<hbm>> -> memref<1x256xf32, #tpu.memory_space<hbm>>
    %dma_start3A_44 = arith.constant 27300 : i32
    %dma_start3A_45 = arith.constant 0 : i32
    %dma_start3A_46 = tpu.memref_slice %arg0[%dma_start3A_44, %dma_start3A_45] : memref<50000x256xf32, #tpu.memory_space<hbm>> -> memref<1x256xf32, #tpu.memory_space<hbm>>
    tpu.enqueue_dma source(%dma_start3A_46 : memref<1x256xf32, #tpu.memory_space<hbm>>) target(%dma_start3A_43 : memref<1x256xf32, #tpu.memory_space<hbm>>) target_semaphore(%arg2 : memref<!tpu.dma_semaphore, #tpu.memory_space<semaphore_mem>>)
    %dma_start3A_47 = arith.constant 8 : i32
    %dma_start3A_48 = arith.constant 0 : i32
    %dma_start3A_49 = tpu.memref_slice %arg1[%dma_start3A_47, %dma_start3A_48] : memref<32x256xf32, #tpu.memory_space<hbm>> -> memref<1x256xf32, #tpu.memory_space<hbm>>
    %dma_start3A_50 = arith.constant 28000 : i32
    %dma_start3A_51 = arith.constant 0 : i32
    %dma_start3A_52 = tpu.memref_slice %arg0[%dma_start3A_50, %dma_start3A_51] : memref<50000x256xf32, #tpu.memory_space<hbm>> -> memref<1x256xf32, #tpu.memory_space<hbm>>
    tpu.enqueue_dma source(%dma_start3A_52 : memref<1x256xf32, #tpu.memory_space<hbm>>) target(%dma_start3A_49 : memref<1x256xf32, #tpu.memory_space<hbm>>) target_semaphore(%arg2 : memref<!tpu.dma_semaphore, #tpu.memory_space<semaphore_mem>>)
    %dma_start3A_53 = arith.constant 9 : i32
    %dma_start3A_54 = arith.constant 0 : i32
    %dma_start3A_55 = tpu.memref_slice %arg1[%dma_start3A_53, %dma_start3A_54] : memref<32x256xf32, #tpu.memory_space<hbm>> -> memref<1x256xf32, #tpu.memory_space<hbm>>
    %dma_start3A_56 = arith.constant 28700 : i32
    %dma_start3A_57 = arith.constant 0 : i32
    %dma_start3A_58 = tpu.memref_slice %arg0[%dma_start3A_56, %dma_start3A_57] : memref<50000x256xf32, #tpu.memory_space<hbm>> -> memref<1x256xf32, #tpu.memory_space<hbm>>
    tpu.enqueue_dma source(%dma_start3A_58 : memref<1x256xf32, #tpu.memory_space<hbm>>) target(%dma_start3A_55 : memref<1x256xf32, #tpu.memory_space<hbm>>) target_semaphore(%arg2 : memref<!tpu.dma_semaphore, #tpu.memory_space<semaphore_mem>>)
    %dma_start3A_59 = arith.constant 10 : i32
    %dma_start3A_60 = arith.constant 0 : i32
    %dma_start3A_61 = tpu.memref_slice %arg1[%dma_start3A_59, %dma_start3A_60] : memref<32x256xf32, #tpu.memory_space<hbm>> -> memref<1x256xf32, #tpu.memory_space<hbm>>
    %dma_start3A_62 = arith.constant 29400 : i32
    %dma_start3A_63 = arith.constant 0 : i32
    %dma_start3A_64 = tpu.memref_slice %arg0[%dma_start3A_62, %dma_start3A_63] : memref<50000x256xf32, #tpu.memory_space<hbm>> -> memref<1x256xf32, #tpu.memory_space<hbm>>
    tpu.enqueue_dma source(%dma_start3A_64 : memref<1x256xf32, #tpu.memory_space<hbm>>) target(%dma_start3A_61 : memref<1x256xf32, #tpu.memory_space<hbm>>) target_semaphore(%arg2 : memref<!tpu.dma_semaphore, #tpu.memory_space<semaphore_mem>>)
    %dma_start3A_65 = arith.constant 11 : i32
    %dma_start3A_66 = arith.constant 0 : i32
    %dma_start3A_67 = tpu.memref_slice %arg1[%dma_start3A_65, %dma_start3A_66] : memref<32x256xf32, #tpu.memory_space<hbm>> -> memref<1x256xf32, #tpu.memory_space<hbm>>
    %dma_start3A_68 = arith.constant 30100 : i32
    %dma_start3A_69 = arith.constant 0 : i32
    %dma_start3A_70 = tpu.memref_slice %arg0[%dma_start3A_68, %dma_start3A_69] : memref<50000x256xf32, #tpu.memory_space<hbm>> -> memref<1x256xf32, #tpu.memory_space<hbm>>
    tpu.enqueue_dma source(%dma_start3A_70 : memref<1x256xf32, #tpu.memory_space<hbm>>) target(%dma_start3A_67 : memref<1x256xf32, #tpu.memory_space<hbm>>) target_semaphore(%arg2 : memref<!tpu.dma_semaphore, #tpu.memory_space<semaphore_mem>>)
    %dma_start3A_71 = arith.constant 12 : i32
    %dma_start3A_72 = arith.constant 0 : i32
    %dma_start3A_73 = tpu.memref_slice %arg1[%dma_start3A_71, %dma_start3A_72] : memref<32x256xf32, #tpu.memory_space<hbm>> -> memref<1x256xf32, #tpu.memory_space<hbm>>
    %dma_start3A_74 = arith.constant 30800 : i32
    %dma_start3A_75 = arith.constant 0 : i32
    %dma_start3A_76 = tpu.memref_slice %arg0[%dma_start3A_74, %dma_start3A_75] : memref<50000x256xf32, #tpu.memory_space<hbm>> -> memref<1x256xf32, #tpu.memory_space<hbm>>
    tpu.enqueue_dma source(%dma_start3A_76 : memref<1x256xf32, #tpu.memory_space<hbm>>) target(%dma_start3A_73 : memref<1x256xf32, #tpu.memory_space<hbm>>) target_semaphore(%arg2 : memref<!tpu.dma_semaphore, #tpu.memory_space<semaphore_mem>>)
    %dma_start3A_77 = arith.constant 13 : i32
    %dma_start3A_78 = arith.constant 0 : i32
    %dma_start3A_79 = tpu.memref_slice %arg1[%dma_start3A_77, %dma_start3A_78] : memref<32x256xf32, #tpu.memory_space<hbm>> -> memref<1x256xf32, #tpu.memory_space<hbm>>
    %dma_start3A_80 = arith.constant 31500 : i32
    %dma_start3A_81 = arith.constant 0 : i32
    %dma_start3A_82 = tpu.memref_slice %arg0[%dma_start3A_80, %dma_start3A_81] : memref<50000x256xf32, #tpu.memory_space<hbm>> -> memref<1x256xf32, #tpu.memory_space<hbm>>
    tpu.enqueue_dma source(%dma_start3A_82 : memref<1x256xf32, #tpu.memory_space<hbm>>) target(%dma_start3A_79 : memref<1x256xf32, #tpu.memory_space<hbm>>) target_semaphore(%arg2 : memref<!tpu.dma_semaphore, #tpu.memory_space<semaphore_mem>>)
    %dma_start3A_83 = arith.constant 14 : i32
    %dma_start3A_84 = arith.constant 0 : i32
    %dma_start3A_85 = tpu.memref_slice %arg1[%dma_start3A_83, %dma_start3A_84] : memref<32x256xf32, #tpu.memory_space<hbm>> -> memref<1x256xf32, #tpu.memory_space<hbm>>
    %dma_start3A_86 = arith.constant 32200 : i32
    %dma_start3A_87 = arith.constant 0 : i32
    %dma_start3A_88 = tpu.memref_slice %arg0[%dma_start3A_86, %dma_start3A_87] : memref<50000x256xf32, #tpu.memory_space<hbm>> -> memref<1x256xf32, #tpu.memory_space<hbm>>
    tpu.enqueue_dma source(%dma_start3A_88 : memref<1x256xf32, #tpu.memory_space<hbm>>) target(%dma_start3A_85 : memref<1x256xf32, #tpu.memory_space<hbm>>) target_semaphore(%arg2 : memref<!tpu.dma_semaphore, #tpu.memory_space<semaphore_mem>>)
    %dma_start3A_89 = arith.constant 15 : i32
    %dma_start3A_90 = arith.constant 0 : i32
    %dma_start3A_91 = tpu.memref_slice %arg1[%dma_start3A_89, %dma_start3A_90] : memref<32x256xf32, #tpu.memory_space<hbm>> -> memref<1x256xf32, #tpu.memory_space<hbm>>
    %dma_start3A_92 = arith.constant 32900 : i32
    %dma_start3A_93 = arith.constant 0 : i32
    %dma_start3A_94 = tpu.memref_slice %arg0[%dma_start3A_92, %dma_start3A_93] : memref<50000x256xf32, #tpu.memory_space<hbm>> -> memref<1x256xf32, #tpu.memory_space<hbm>>
    tpu.enqueue_dma source(%dma_start3A_94 : memref<1x256xf32, #tpu.memory_space<hbm>>) target(%dma_start3A_91 : memref<1x256xf32, #tpu.memory_space<hbm>>) target_semaphore(%arg2 : memref<!tpu.dma_semaphore, #tpu.memory_space<semaphore_mem>>)
    %dma_start3A_95 = arith.constant 16 : i32
    %dma_start3A_96 = arith.constant 0 : i32
    %dma_start3A_97 = tpu.memref_slice %arg1[%dma_start3A_95, %dma_start3A_96] : memref<32x256xf32, #tpu.memory_space<hbm>> -> memref<1x256xf32, #tpu.memory_space<hbm>>
    %dma_start3A_98 = arith.constant 33600 : i32
    %dma_start3A_99 = arith.constant 0 : i32
    %dma_start3A_100 = tpu.memref_slice %arg0[%dma_start3A_98, %dma_start3A_99] : memref<50000x256xf32, #tpu.memory_space<hbm>> -> memref<1x256xf32, #tpu.memory_space<hbm>>
    tpu.enqueue_dma source(%dma_start3A_100 : memref<1x256xf32, #tpu.memory_space<hbm>>) target(%dma_start3A_97 : memref<1x256xf32, #tpu.memory_space<hbm>>) target_semaphore(%arg2 : memref<!tpu.dma_semaphore, #tpu.memory_space<semaphore_mem>>)
    %dma_start3A_101 = arith.constant 17 : i32
    %dma_start3A_102 = arith.constant 0 : i32
    %dma_start3A_103 = tpu.memref_slice %arg1[%dma_start3A_101, %dma_start3A_102] : memref<32x256xf32, #tpu.memory_space<hbm>> -> memref<1x256xf32, #tpu.memory_space<hbm>>
    %dma_start3A_104 = arith.constant 34300 : i32
    %dma_start3A_105 = arith.constant 0 : i32
    %dma_start3A_106 = tpu.memref_slice %arg0[%dma_start3A_104, %dma_start3A_105] : memref<50000x256xf32, #tpu.memory_space<hbm>> -> memref<1x256xf32, #tpu.memory_space<hbm>>
    tpu.enqueue_dma source(%dma_start3A_106 : memref<1x256xf32, #tpu.memory_space<hbm>>) target(%dma_start3A_103 : memref<1x256xf32, #tpu.memory_space<hbm>>) target_semaphore(%arg2 : memref<!tpu.dma_semaphore, #tpu.memory_space<semaphore_mem>>)
    %dma_start3A_107 = arith.constant 18 : i32
    %dma_start3A_108 = arith.constant 0 : i32
    %dma_start3A_109 = tpu.memref_slice %arg1[%dma_start3A_107, %dma_start3A_108] : memref<32x256xf32, #tpu.memory_space<hbm>> -> memref<1x256xf32, #tpu.memory_space<hbm>>
    %dma_start3A_110 = arith.constant 35000 : i32
    %dma_start3A_111 = arith.constant 0 : i32
    %dma_start3A_112 = tpu.memref_slice %arg0[%dma_start3A_110, %dma_start3A_111] : memref<50000x256xf32, #tpu.memory_space<hbm>> -> memref<1x256xf32, #tpu.memory_space<hbm>>
    tpu.enqueue_dma source(%dma_start3A_112 : memref<1x256xf32, #tpu.memory_space<hbm>>) target(%dma_start3A_109 : memref<1x256xf32, #tpu.memory_space<hbm>>) target_semaphore(%arg2 : memref<!tpu.dma_semaphore, #tpu.memory_space<semaphore_mem>>)
    %dma_start3A_113 = arith.constant 19 : i32
    %dma_start3A_114 = arith.constant 0 : i32
    %dma_start3A_115 = tpu.memref_slice %arg1[%dma_start3A_113, %dma_start3A_114] : memref<32x256xf32, #tpu.memory_space<hbm>> -> memref<1x256xf32, #tpu.memory_space<hbm>>
    %dma_start3A_116 = arith.constant 35700 : i32
    %dma_start3A_117 = arith.constant 0 : i32
    %dma_start3A_118 = tpu.memref_slice %arg0[%dma_start3A_116, %dma_start3A_117] : memref<50000x256xf32, #tpu.memory_space<hbm>> -> memref<1x256xf32, #tpu.memory_space<hbm>>
    tpu.enqueue_dma source(%dma_start3A_118 : memref<1x256xf32, #tpu.memory_space<hbm>>) target(%dma_start3A_115 : memref<1x256xf32, #tpu.memory_space<hbm>>) target_semaphore(%arg2 : memref<!tpu.dma_semaphore, #tpu.memory_space<semaphore_mem>>)
    %dma_start3A_119 = arith.constant 20 : i32
    %dma_start3A_120 = arith.constant 0 : i32
    %dma_start3A_121 = tpu.memref_slice %arg1[%dma_start3A_119, %dma_start3A_120] : memref<32x256xf32, #tpu.memory_space<hbm>> -> memref<1x256xf32, #tpu.memory_space<hbm>>
    %dma_start3A_122 = arith.constant 36400 : i32
    %dma_start3A_123 = arith.constant 0 : i32
    %dma_start3A_124 = tpu.memref_slice %arg0[%dma_start3A_122, %dma_start3A_123] : memref<50000x256xf32, #tpu.memory_space<hbm>> -> memref<1x256xf32, #tpu.memory_space<hbm>>
    tpu.enqueue_dma source(%dma_start3A_124 : memref<1x256xf32, #tpu.memory_space<hbm>>) target(%dma_start3A_121 : memref<1x256xf32, #tpu.memory_space<hbm>>) target_semaphore(%arg2 : memref<!tpu.dma_semaphore, #tpu.memory_space<semaphore_mem>>)
    %dma_start3A_125 = arith.constant 21 : i32
    %dma_start3A_126 = arith.constant 0 : i32
    %dma_start3A_127 = tpu.memref_slice %arg1[%dma_start3A_125, %dma_start3A_126] : memref<32x256xf32, #tpu.memory_space<hbm>> -> memref<1x256xf32, #tpu.memory_space<hbm>>
    %dma_start3A_128 = arith.constant 37100 : i32
    %dma_start3A_129 = arith.constant 0 : i32
    %dma_start3A_130 = tpu.memref_slice %arg0[%dma_start3A_128, %dma_start3A_129] : memref<50000x256xf32, #tpu.memory_space<hbm>> -> memref<1x256xf32, #tpu.memory_space<hbm>>
    tpu.enqueue_dma source(%dma_start3A_130 : memref<1x256xf32, #tpu.memory_space<hbm>>) target(%dma_start3A_127 : memref<1x256xf32, #tpu.memory_space<hbm>>) target_semaphore(%arg2 : memref<!tpu.dma_semaphore, #tpu.memory_space<semaphore_mem>>)
    %dma_start3A_131 = arith.constant 22 : i32
    %dma_start3A_132 = arith.constant 0 : i32
    %dma_start3A_133 = tpu.memref_slice %arg1[%dma_start3A_131, %dma_start3A_132] : memref<32x256xf32, #tpu.memory_space<hbm>> -> memref<1x256xf32, #tpu.memory_space<hbm>>
    %dma_start3A_134 = arith.constant 37800 : i32
    %dma_start3A_135 = arith.constant 0 : i32
    %dma_start3A_136 = tpu.memref_slice %arg0[%dma_start3A_134, %dma_start3A_135] : memref<50000x256xf32, #tpu.memory_space<hbm>> -> memref<1x256xf32, #tpu.memory_space<hbm>>
    tpu.enqueue_dma source(%dma_start3A_136 : memref<1x256xf32, #tpu.memory_space<hbm>>) target(%dma_start3A_133 : memref<1x256xf32, #tpu.memory_space<hbm>>) target_semaphore(%arg2 : memref<!tpu.dma_semaphore, #tpu.memory_space<semaphore_mem>>)
    %dma_start3A_137 = arith.constant 23 : i32
    %dma_start3A_138 = arith.constant 0 : i32
    %dma_start3A_139 = tpu.memref_slice %arg1[%dma_start3A_137, %dma_start3A_138] : memref<32x256xf32, #tpu.memory_space<hbm>> -> memref<1x256xf32, #tpu.memory_space<hbm>>
    %dma_start3A_140 = arith.constant 38500 : i32
    %dma_start3A_141 = arith.constant 0 : i32
    %dma_start3A_142 = tpu.memref_slice %arg0[%dma_start3A_140, %dma_start3A_141] : memref<50000x256xf32, #tpu.memory_space<hbm>> -> memref<1x256xf32, #tpu.memory_space<hbm>>
    tpu.enqueue_dma source(%dma_start3A_142 : memref<1x256xf32, #tpu.memory_space<hbm>>) target(%dma_start3A_139 : memref<1x256xf32, #tpu.memory_space<hbm>>) target_semaphore(%arg2 : memref<!tpu.dma_semaphore, #tpu.memory_space<semaphore_mem>>)
    %dma_start3A_143 = arith.constant 24 : i32
    %dma_start3A_144 = arith.constant 0 : i32
    %dma_start3A_145 = tpu.memref_slice %arg1[%dma_start3A_143, %dma_start3A_144] : memref<32x256xf32, #tpu.memory_space<hbm>> -> memref<1x256xf32, #tpu.memory_space<hbm>>
    %dma_start3A_146 = arith.constant 39200 : i32
    %dma_start3A_147 = arith.constant 0 : i32
    %dma_start3A_148 = tpu.memref_slice %arg0[%dma_start3A_146, %dma_start3A_147] : memref<50000x256xf32, #tpu.memory_space<hbm>> -> memref<1x256xf32, #tpu.memory_space<hbm>>
    tpu.enqueue_dma source(%dma_start3A_148 : memref<1x256xf32, #tpu.memory_space<hbm>>) target(%dma_start3A_145 : memref<1x256xf32, #tpu.memory_space<hbm>>) target_semaphore(%arg2 : memref<!tpu.dma_semaphore, #tpu.memory_space<semaphore_mem>>)
    %dma_start3A_149 = arith.constant 25 : i32
    %dma_start3A_150 = arith.constant 0 : i32
    %dma_start3A_151 = tpu.memref_slice %arg1[%dma_start3A_149, %dma_start3A_150] : memref<32x256xf32, #tpu.memory_space<hbm>> -> memref<1x256xf32, #tpu.memory_space<hbm>>
    %dma_start3A_152 = arith.constant 39900 : i32
    %dma_start3A_153 = arith.constant 0 : i32
    %dma_start3A_154 = tpu.memref_slice %arg0[%dma_start3A_152, %dma_start3A_153] : memref<50000x256xf32, #tpu.memory_space<hbm>> -> memref<1x256xf32, #tpu.memory_space<hbm>>
    tpu.enqueue_dma source(%dma_start3A_154 : memref<1x256xf32, #tpu.memory_space<hbm>>) target(%dma_start3A_151 : memref<1x256xf32, #tpu.memory_space<hbm>>) target_semaphore(%arg2 : memref<!tpu.dma_semaphore, #tpu.memory_space<semaphore_mem>>)
    %dma_start3A_155 = arith.constant 26 : i32
    %dma_start3A_156 = arith.constant 0 : i32
    %dma_start3A_157 = tpu.memref_slice %arg1[%dma_start3A_155, %dma_start3A_156] : memref<32x256xf32, #tpu.memory_space<hbm>> -> memref<1x256xf32, #tpu.memory_space<hbm>>
    %dma_start3A_158 = arith.constant 40600 : i32
    %dma_start3A_159 = arith.constant 0 : i32
    %dma_start3A_160 = tpu.memref_slice %arg0[%dma_start3A_158, %dma_start3A_159] : memref<50000x256xf32, #tpu.memory_space<hbm>> -> memref<1x256xf32, #tpu.memory_space<hbm>>
    tpu.enqueue_dma source(%dma_start3A_160 : memref<1x256xf32, #tpu.memory_space<hbm>>) target(%dma_start3A_157 : memref<1x256xf32, #tpu.memory_space<hbm>>) target_semaphore(%arg2 : memref<!tpu.dma_semaphore, #tpu.memory_space<semaphore_mem>>)
    %dma_start3A_161 = arith.constant 27 : i32
    %dma_start3A_162 = arith.constant 0 : i32
    %dma_start3A_163 = tpu.memref_slice %arg1[%dma_start3A_161, %dma_start3A_162] : memref<32x256xf32, #tpu.memory_space<hbm>> -> memref<1x256xf32, #tpu.memory_space<hbm>>
    %dma_start3A_164 = arith.constant 41300 : i32
    %dma_start3A_165 = arith.constant 0 : i32
    %dma_start3A_166 = tpu.memref_slice %arg0[%dma_start3A_164, %dma_start3A_165] : memref<50000x256xf32, #tpu.memory_space<hbm>> -> memref<1x256xf32, #tpu.memory_space<hbm>>
    tpu.enqueue_dma source(%dma_start3A_166 : memref<1x256xf32, #tpu.memory_space<hbm>>) target(%dma_start3A_163 : memref<1x256xf32, #tpu.memory_space<hbm>>) target_semaphore(%arg2 : memref<!tpu.dma_semaphore, #tpu.memory_space<semaphore_mem>>)
    %dma_start3A_167 = arith.constant 28 : i32
    %dma_start3A_168 = arith.constant 0 : i32
    %dma_start3A_169 = tpu.memref_slice %arg1[%dma_start3A_167, %dma_start3A_168] : memref<32x256xf32, #tpu.memory_space<hbm>> -> memref<1x256xf32, #tpu.memory_space<hbm>>
    %dma_start3A_170 = arith.constant 42000 : i32
    %dma_start3A_171 = arith.constant 0 : i32
    %dma_start3A_172 = tpu.memref_slice %arg0[%dma_start3A_170, %dma_start3A_171] : memref<50000x256xf32, #tpu.memory_space<hbm>> -> memref<1x256xf32, #tpu.memory_space<hbm>>
    tpu.enqueue_dma source(%dma_start3A_172 : memref<1x256xf32, #tpu.memory_space<hbm>>) target(%dma_start3A_169 : memref<1x256xf32, #tpu.memory_space<hbm>>) target_semaphore(%arg2 : memref<!tpu.dma_semaphore, #tpu.memory_space<semaphore_mem>>)
    %dma_start3A_173 = arith.constant 29 : i32
    %dma_start3A_174 = arith.constant 0 : i32
    %dma_start3A_175 = tpu.memref_slice %arg1[%dma_start3A_173, %dma_start3A_174] : memref<32x256xf32, #tpu.memory_space<hbm>> -> memref<1x256xf32, #tpu.memory_space<hbm>>
    %dma_start3A_176 = arith.constant 42700 : i32
    %dma_start3A_177 = arith.constant 0 : i32
    %dma_start3A_178 = tpu.memref_slice %arg0[%dma_start3A_176, %dma_start3A_177] : memref<50000x256xf32, #tpu.memory_space<hbm>> -> memref<1x256xf32, #tpu.memory_space<hbm>>
    tpu.enqueue_dma source(%dma_start3A_178 : memref<1x256xf32, #tpu.memory_space<hbm>>) target(%dma_start3A_175 : memref<1x256xf32, #tpu.memory_space<hbm>>) target_semaphore(%arg2 : memref<!tpu.dma_semaphore, #tpu.memory_space<semaphore_mem>>)
    %dma_start3A_179 = arith.constant 30 : i32
    %dma_start3A_180 = arith.constant 0 : i32
    %dma_start3A_181 = tpu.memref_slice %arg1[%dma_start3A_179, %dma_start3A_180] : memref<32x256xf32, #tpu.memory_space<hbm>> -> memref<1x256xf32, #tpu.memory_space<hbm>>
    %dma_start3A_182 = arith.constant 43400 : i32
    %dma_start3A_183 = arith.constant 0 : i32
    %dma_start3A_184 = tpu.memref_slice %arg0[%dma_start3A_182, %dma_start3A_183] : memref<50000x256xf32, #tpu.memory_space<hbm>> -> memref<1x256xf32, #tpu.memory_space<hbm>>
    tpu.enqueue_dma source(%dma_start3A_184 : memref<1x256xf32, #tpu.memory_space<hbm>>) target(%dma_start3A_181 : memref<1x256xf32, #tpu.memory_space<hbm>>) target_semaphore(%arg2 : memref<!tpu.dma_semaphore, #tpu.memory_space<semaphore_mem>>)
    %dma_start3A_185 = arith.constant 31 : i32
    %dma_start3A_186 = arith.constant 0 : i32
    %dma_start3A_187 = tpu.memref_slice %arg1[%dma_start3A_185, %dma_start3A_186] : memref<32x256xf32, #tpu.memory_space<hbm>> -> memref<1x256xf32, #tpu.memory_space<hbm>>
    %dma_start3A_188 = arith.constant 44100 : i32
    %dma_start3A_189 = arith.constant 0 : i32
    %dma_start3A_190 = tpu.memref_slice %arg0[%dma_start3A_188, %dma_start3A_189] : memref<50000x256xf32, #tpu.memory_space<hbm>> -> memref<1x256xf32, #tpu.memory_space<hbm>>
    tpu.enqueue_dma source(%dma_start3A_190 : memref<1x256xf32, #tpu.memory_space<hbm>>) target(%dma_start3A_187 : memref<1x256xf32, #tpu.memory_space<hbm>>) target_semaphore(%arg2 : memref<!tpu.dma_semaphore, #tpu.memory_space<semaphore_mem>>)
    %dma_wait3A = arith.constant 0 : i32
    %dma_wait3A_191 = arith.constant 0 : i32
    %dma_wait3A_192 = tpu.memref_slice %arg1[%dma_wait3A, %dma_wait3A_191] : memref<32x256xf32, #tpu.memory_space<hbm>> -> memref<1x256xf32, #tpu.memory_space<hbm>>
    %dma_wait3A_193 = arith.constant 22400 : i32
    %dma_wait3A_194 = arith.constant 0 : i32
    %dma_wait3A_195 = tpu.memref_slice %arg0[%dma_wait3A_193, %dma_wait3A_194] : memref<50000x256xf32, #tpu.memory_space<hbm>> -> memref<1x256xf32, #tpu.memory_space<hbm>>
    tpu.wait_dma2 semaphore(%arg2 : memref<!tpu.dma_semaphore, #tpu.memory_space<semaphore_mem>>) src(%dma_wait3A_195 : memref<1x256xf32, #tpu.memory_space<hbm>>) dst(%dma_wait3A_192 : memref<1x256xf32, #tpu.memory_space<hbm>>)
    %dma_wait3A_196 = arith.constant 1 : i32
    %dma_wait3A_197 = arith.constant 0 : i32
    %dma_wait3A_198 = tpu.memref_slice %arg1[%dma_wait3A_196, %dma_wait3A_197] : memref<32x256xf32, #tpu.memory_space<hbm>> -> memref<1x256xf32, #tpu.memory_space<hbm>>
    %dma_wait3A_199 = arith.constant 23100 : i32
    %dma_wait3A_200 = arith.constant 0 : i32
    %dma_wait3A_201 = tpu.memref_slice %arg0[%dma_wait3A_199, %dma_wait3A_200] : memref<50000x256xf32, #tpu.memory_space<hbm>> -> memref<1x256xf32, #tpu.memory_space<hbm>>
    tpu.wait_dma2 semaphore(%arg2 : memref<!tpu.dma_semaphore, #tpu.memory_space<semaphore_mem>>) src(%dma_wait3A_201 : memref<1x256xf32, #tpu.memory_space<hbm>>) dst(%dma_wait3A_198 : memref<1x256xf32, #tpu.memory_space<hbm>>)
    %dma_wait3A_202 = arith.constant 2 : i32
    %dma_wait3A_203 = arith.constant 0 : i32
    %dma_wait3A_204 = tpu.memref_slice %arg1[%dma_wait3A_202, %dma_wait3A_203] : memref<32x256xf32, #tpu.memory_space<hbm>> -> memref<1x256xf32, #tpu.memory_space<hbm>>
    %dma_wait3A_205 = arith.constant 23800 : i32
    %dma_wait3A_206 = arith.constant 0 : i32
    %dma_wait3A_207 = tpu.memref_slice %arg0[%dma_wait3A_205, %dma_wait3A_206] : memref<50000x256xf32, #tpu.memory_space<hbm>> -> memref<1x256xf32, #tpu.memory_space<hbm>>
    tpu.wait_dma2 semaphore(%arg2 : memref<!tpu.dma_semaphore, #tpu.memory_space<semaphore_mem>>) src(%dma_wait3A_207 : memref<1x256xf32, #tpu.memory_space<hbm>>) dst(%dma_wait3A_204 : memref<1x256xf32, #tpu.memory_space<hbm>>)
    %dma_wait3A_208 = arith.constant 3 : i32
    %dma_wait3A_209 = arith.constant 0 : i32
    %dma_wait3A_210 = tpu.memref_slice %arg1[%dma_wait3A_208, %dma_wait3A_209] : memref<32x256xf32, #tpu.memory_space<hbm>> -> memref<1x256xf32, #tpu.memory_space<hbm>>
    %dma_wait3A_211 = arith.constant 24500 : i32
    %dma_wait3A_212 = arith.constant 0 : i32
    %dma_wait3A_213 = tpu.memref_slice %arg0[%dma_wait3A_211, %dma_wait3A_212] : memref<50000x256xf32, #tpu.memory_space<hbm>> -> memref<1x256xf32, #tpu.memory_space<hbm>>
    tpu.wait_dma2 semaphore(%arg2 : memref<!tpu.dma_semaphore, #tpu.memory_space<semaphore_mem>>) src(%dma_wait3A_213 : memref<1x256xf32, #tpu.memory_space<hbm>>) dst(%dma_wait3A_210 : memref<1x256xf32, #tpu.memory_space<hbm>>)
    %dma_wait3A_214 = arith.constant 4 : i32
    %dma_wait3A_215 = arith.constant 0 : i32
    %dma_wait3A_216 = tpu.memref_slice %arg1[%dma_wait3A_214, %dma_wait3A_215] : memref<32x256xf32, #tpu.memory_space<hbm>> -> memref<1x256xf32, #tpu.memory_space<hbm>>
    %dma_wait3A_217 = arith.constant 25200 : i32
    %dma_wait3A_218 = arith.constant 0 : i32
    %dma_wait3A_219 = tpu.memref_slice %arg0[%dma_wait3A_217, %dma_wait3A_218] : memref<50000x256xf32, #tpu.memory_space<hbm>> -> memref<1x256xf32, #tpu.memory_space<hbm>>
    tpu.wait_dma2 semaphore(%arg2 : memref<!tpu.dma_semaphore, #tpu.memory_space<semaphore_mem>>) src(%dma_wait3A_219 : memref<1x256xf32, #tpu.memory_space<hbm>>) dst(%dma_wait3A_216 : memref<1x256xf32, #tpu.memory_space<hbm>>)
    %dma_wait3A_220 = arith.constant 5 : i32
    %dma_wait3A_221 = arith.constant 0 : i32
    %dma_wait3A_222 = tpu.memref_slice %arg1[%dma_wait3A_220, %dma_wait3A_221] : memref<32x256xf32, #tpu.memory_space<hbm>> -> memref<1x256xf32, #tpu.memory_space<hbm>>
    %dma_wait3A_223 = arith.constant 25900 : i32
    %dma_wait3A_224 = arith.constant 0 : i32
    %dma_wait3A_225 = tpu.memref_slice %arg0[%dma_wait3A_223, %dma_wait3A_224] : memref<50000x256xf32, #tpu.memory_space<hbm>> -> memref<1x256xf32, #tpu.memory_space<hbm>>
    tpu.wait_dma2 semaphore(%arg2 : memref<!tpu.dma_semaphore, #tpu.memory_space<semaphore_mem>>) src(%dma_wait3A_225 : memref<1x256xf32, #tpu.memory_space<hbm>>) dst(%dma_wait3A_222 : memref<1x256xf32, #tpu.memory_space<hbm>>)
    %dma_wait3A_226 = arith.constant 6 : i32
    %dma_wait3A_227 = arith.constant 0 : i32
    %dma_wait3A_228 = tpu.memref_slice %arg1[%dma_wait3A_226, %dma_wait3A_227] : memref<32x256xf32, #tpu.memory_space<hbm>> -> memref<1x256xf32, #tpu.memory_space<hbm>>
    %dma_wait3A_229 = arith.constant 26600 : i32
    %dma_wait3A_230 = arith.constant 0 : i32
    %dma_wait3A_231 = tpu.memref_slice %arg0[%dma_wait3A_229, %dma_wait3A_230] : memref<50000x256xf32, #tpu.memory_space<hbm>> -> memref<1x256xf32, #tpu.memory_space<hbm>>
    tpu.wait_dma2 semaphore(%arg2 : memref<!tpu.dma_semaphore, #tpu.memory_space<semaphore_mem>>) src(%dma_wait3A_231 : memref<1x256xf32, #tpu.memory_space<hbm>>) dst(%dma_wait3A_228 : memref<1x256xf32, #tpu.memory_space<hbm>>)
    %dma_wait3A_232 = arith.constant 7 : i32
    %dma_wait3A_233 = arith.constant 0 : i32
    %dma_wait3A_234 = tpu.memref_slice %arg1[%dma_wait3A_232, %dma_wait3A_233] : memref<32x256xf32, #tpu.memory_space<hbm>> -> memref<1x256xf32, #tpu.memory_space<hbm>>
    %dma_wait3A_235 = arith.constant 27300 : i32
    %dma_wait3A_236 = arith.constant 0 : i32
    %dma_wait3A_237 = tpu.memref_slice %arg0[%dma_wait3A_235, %dma_wait3A_236] : memref<50000x256xf32, #tpu.memory_space<hbm>> -> memref<1x256xf32, #tpu.memory_space<hbm>>
    tpu.wait_dma2 semaphore(%arg2 : memref<!tpu.dma_semaphore, #tpu.memory_space<semaphore_mem>>) src(%dma_wait3A_237 : memref<1x256xf32, #tpu.memory_space<hbm>>) dst(%dma_wait3A_234 : memref<1x256xf32, #tpu.memory_space<hbm>>)
    %dma_wait3A_238 = arith.constant 8 : i32
    %dma_wait3A_239 = arith.constant 0 : i32
    %dma_wait3A_240 = tpu.memref_slice %arg1[%dma_wait3A_238, %dma_wait3A_239] : memref<32x256xf32, #tpu.memory_space<hbm>> -> memref<1x256xf32, #tpu.memory_space<hbm>>
    %dma_wait3A_241 = arith.constant 28000 : i32
    %dma_wait3A_242 = arith.constant 0 : i32
    %dma_wait3A_243 = tpu.memref_slice %arg0[%dma_wait3A_241, %dma_wait3A_242] : memref<50000x256xf32, #tpu.memory_space<hbm>> -> memref<1x256xf32, #tpu.memory_space<hbm>>
    tpu.wait_dma2 semaphore(%arg2 : memref<!tpu.dma_semaphore, #tpu.memory_space<semaphore_mem>>) src(%dma_wait3A_243 : memref<1x256xf32, #tpu.memory_space<hbm>>) dst(%dma_wait3A_240 : memref<1x256xf32, #tpu.memory_space<hbm>>)
    %dma_wait3A_244 = arith.constant 9 : i32
    %dma_wait3A_245 = arith.constant 0 : i32
    %dma_wait3A_246 = tpu.memref_slice %arg1[%dma_wait3A_244, %dma_wait3A_245] : memref<32x256xf32, #tpu.memory_space<hbm>> -> memref<1x256xf32, #tpu.memory_space<hbm>>
    %dma_wait3A_247 = arith.constant 28700 : i32
    %dma_wait3A_248 = arith.constant 0 : i32
    %dma_wait3A_249 = tpu.memref_slice %arg0[%dma_wait3A_247, %dma_wait3A_248] : memref<50000x256xf32, #tpu.memory_space<hbm>> -> memref<1x256xf32, #tpu.memory_space<hbm>>
    tpu.wait_dma2 semaphore(%arg2 : memref<!tpu.dma_semaphore, #tpu.memory_space<semaphore_mem>>) src(%dma_wait3A_249 : memref<1x256xf32, #tpu.memory_space<hbm>>) dst(%dma_wait3A_246 : memref<1x256xf32, #tpu.memory_space<hbm>>)
    %dma_wait3A_250 = arith.constant 10 : i32
    %dma_wait3A_251 = arith.constant 0 : i32
    %dma_wait3A_252 = tpu.memref_slice %arg1[%dma_wait3A_250, %dma_wait3A_251] : memref<32x256xf32, #tpu.memory_space<hbm>> -> memref<1x256xf32, #tpu.memory_space<hbm>>
    %dma_wait3A_253 = arith.constant 29400 : i32
    %dma_wait3A_254 = arith.constant 0 : i32
    %dma_wait3A_255 = tpu.memref_slice %arg0[%dma_wait3A_253, %dma_wait3A_254] : memref<50000x256xf32, #tpu.memory_space<hbm>> -> memref<1x256xf32, #tpu.memory_space<hbm>>
    tpu.wait_dma2 semaphore(%arg2 : memref<!tpu.dma_semaphore, #tpu.memory_space<semaphore_mem>>) src(%dma_wait3A_255 : memref<1x256xf32, #tpu.memory_space<hbm>>) dst(%dma_wait3A_252 : memref<1x256xf32, #tpu.memory_space<hbm>>)
    %dma_wait3A_256 = arith.constant 11 : i32
    %dma_wait3A_257 = arith.constant 0 : i32
    %dma_wait3A_258 = tpu.memref_slice %arg1[%dma_wait3A_256, %dma_wait3A_257] : memref<32x256xf32, #tpu.memory_space<hbm>> -> memref<1x256xf32, #tpu.memory_space<hbm>>
    %dma_wait3A_259 = arith.constant 30100 : i32
    %dma_wait3A_260 = arith.constant 0 : i32
    %dma_wait3A_261 = tpu.memref_slice %arg0[%dma_wait3A_259, %dma_wait3A_260] : memref<50000x256xf32, #tpu.memory_space<hbm>> -> memref<1x256xf32, #tpu.memory_space<hbm>>
    tpu.wait_dma2 semaphore(%arg2 : memref<!tpu.dma_semaphore, #tpu.memory_space<semaphore_mem>>) src(%dma_wait3A_261 : memref<1x256xf32, #tpu.memory_space<hbm>>) dst(%dma_wait3A_258 : memref<1x256xf32, #tpu.memory_space<hbm>>)
    %dma_wait3A_262 = arith.constant 12 : i32
    %dma_wait3A_263 = arith.constant 0 : i32
    %dma_wait3A_264 = tpu.memref_slice %arg1[%dma_wait3A_262, %dma_wait3A_263] : memref<32x256xf32, #tpu.memory_space<hbm>> -> memref<1x256xf32, #tpu.memory_space<hbm>>
    %dma_wait3A_265 = arith.constant 30800 : i32
    %dma_wait3A_266 = arith.constant 0 : i32
    %dma_wait3A_267 = tpu.memref_slice %arg0[%dma_wait3A_265, %dma_wait3A_266] : memref<50000x256xf32, #tpu.memory_space<hbm>> -> memref<1x256xf32, #tpu.memory_space<hbm>>
    tpu.wait_dma2 semaphore(%arg2 : memref<!tpu.dma_semaphore, #tpu.memory_space<semaphore_mem>>) src(%dma_wait3A_267 : memref<1x256xf32, #tpu.memory_space<hbm>>) dst(%dma_wait3A_264 : memref<1x256xf32, #tpu.memory_space<hbm>>)
    %dma_wait3A_268 = arith.constant 13 : i32
    %dma_wait3A_269 = arith.constant 0 : i32
    %dma_wait3A_270 = tpu.memref_slice %arg1[%dma_wait3A_268, %dma_wait3A_269] : memref<32x256xf32, #tpu.memory_space<hbm>> -> memref<1x256xf32, #tpu.memory_space<hbm>>
    %dma_wait3A_271 = arith.constant 31500 : i32
    %dma_wait3A_272 = arith.constant 0 : i32
    %dma_wait3A_273 = tpu.memref_slice %arg0[%dma_wait3A_271, %dma_wait3A_272] : memref<50000x256xf32, #tpu.memory_space<hbm>> -> memref<1x256xf32, #tpu.memory_space<hbm>>
    tpu.wait_dma2 semaphore(%arg2 : memref<!tpu.dma_semaphore, #tpu.memory_space<semaphore_mem>>) src(%dma_wait3A_273 : memref<1x256xf32, #tpu.memory_space<hbm>>) dst(%dma_wait3A_270 : memref<1x256xf32, #tpu.memory_space<hbm>>)
    %dma_wait3A_274 = arith.constant 14 : i32
    %dma_wait3A_275 = arith.constant 0 : i32
    %dma_wait3A_276 = tpu.memref_slice %arg1[%dma_wait3A_274, %dma_wait3A_275] : memref<32x256xf32, #tpu.memory_space<hbm>> -> memref<1x256xf32, #tpu.memory_space<hbm>>
    %dma_wait3A_277 = arith.constant 32200 : i32
    %dma_wait3A_278 = arith.constant 0 : i32
    %dma_wait3A_279 = tpu.memref_slice %arg0[%dma_wait3A_277, %dma_wait3A_278] : memref<50000x256xf32, #tpu.memory_space<hbm>> -> memref<1x256xf32, #tpu.memory_space<hbm>>
    tpu.wait_dma2 semaphore(%arg2 : memref<!tpu.dma_semaphore, #tpu.memory_space<semaphore_mem>>) src(%dma_wait3A_279 : memref<1x256xf32, #tpu.memory_space<hbm>>) dst(%dma_wait3A_276 : memref<1x256xf32, #tpu.memory_space<hbm>>)
    %dma_wait3A_280 = arith.constant 15 : i32
    %dma_wait3A_281 = arith.constant 0 : i32
    %dma_wait3A_282 = tpu.memref_slice %arg1[%dma_wait3A_280, %dma_wait3A_281] : memref<32x256xf32, #tpu.memory_space<hbm>> -> memref<1x256xf32, #tpu.memory_space<hbm>>
    %dma_wait3A_283 = arith.constant 32900 : i32
    %dma_wait3A_284 = arith.constant 0 : i32
    %dma_wait3A_285 = tpu.memref_slice %arg0[%dma_wait3A_283, %dma_wait3A_284] : memref<50000x256xf32, #tpu.memory_space<hbm>> -> memref<1x256xf32, #tpu.memory_space<hbm>>
    tpu.wait_dma2 semaphore(%arg2 : memref<!tpu.dma_semaphore, #tpu.memory_space<semaphore_mem>>) src(%dma_wait3A_285 : memref<1x256xf32, #tpu.memory_space<hbm>>) dst(%dma_wait3A_282 : memref<1x256xf32, #tpu.memory_space<hbm>>)
    %dma_wait3A_286 = arith.constant 16 : i32
    %dma_wait3A_287 = arith.constant 0 : i32
    %dma_wait3A_288 = tpu.memref_slice %arg1[%dma_wait3A_286, %dma_wait3A_287] : memref<32x256xf32, #tpu.memory_space<hbm>> -> memref<1x256xf32, #tpu.memory_space<hbm>>
    %dma_wait3A_289 = arith.constant 33600 : i32
    %dma_wait3A_290 = arith.constant 0 : i32
    %dma_wait3A_291 = tpu.memref_slice %arg0[%dma_wait3A_289, %dma_wait3A_290] : memref<50000x256xf32, #tpu.memory_space<hbm>> -> memref<1x256xf32, #tpu.memory_space<hbm>>
    tpu.wait_dma2 semaphore(%arg2 : memref<!tpu.dma_semaphore, #tpu.memory_space<semaphore_mem>>) src(%dma_wait3A_291 : memref<1x256xf32, #tpu.memory_space<hbm>>) dst(%dma_wait3A_288 : memref<1x256xf32, #tpu.memory_space<hbm>>)
    %dma_wait3A_292 = arith.constant 17 : i32
    %dma_wait3A_293 = arith.constant 0 : i32
    %dma_wait3A_294 = tpu.memref_slice %arg1[%dma_wait3A_292, %dma_wait3A_293] : memref<32x256xf32, #tpu.memory_space<hbm>> -> memref<1x256xf32, #tpu.memory_space<hbm>>
    %dma_wait3A_295 = arith.constant 34300 : i32
    %dma_wait3A_296 = arith.constant 0 : i32
    %dma_wait3A_297 = tpu.memref_slice %arg0[%dma_wait3A_295, %dma_wait3A_296] : memref<50000x256xf32, #tpu.memory_space<hbm>> -> memref<1x256xf32, #tpu.memory_space<hbm>>
    tpu.wait_dma2 semaphore(%arg2 : memref<!tpu.dma_semaphore, #tpu.memory_space<semaphore_mem>>) src(%dma_wait3A_297 : memref<1x256xf32, #tpu.memory_space<hbm>>) dst(%dma_wait3A_294 : memref<1x256xf32, #tpu.memory_space<hbm>>)
    %dma_wait3A_298 = arith.constant 18 : i32
    %dma_wait3A_299 = arith.constant 0 : i32
    %dma_wait3A_300 = tpu.memref_slice %arg1[%dma_wait3A_298, %dma_wait3A_299] : memref<32x256xf32, #tpu.memory_space<hbm>> -> memref<1x256xf32, #tpu.memory_space<hbm>>
    %dma_wait3A_301 = arith.constant 35000 : i32
    %dma_wait3A_302 = arith.constant 0 : i32
    %dma_wait3A_303 = tpu.memref_slice %arg0[%dma_wait3A_301, %dma_wait3A_302] : memref<50000x256xf32, #tpu.memory_space<hbm>> -> memref<1x256xf32, #tpu.memory_space<hbm>>
    tpu.wait_dma2 semaphore(%arg2 : memref<!tpu.dma_semaphore, #tpu.memory_space<semaphore_mem>>) src(%dma_wait3A_303 : memref<1x256xf32, #tpu.memory_space<hbm>>) dst(%dma_wait3A_300 : memref<1x256xf32, #tpu.memory_space<hbm>>)
    %dma_wait3A_304 = arith.constant 19 : i32
    %dma_wait3A_305 = arith.constant 0 : i32
    %dma_wait3A_306 = tpu.memref_slice %arg1[%dma_wait3A_304, %dma_wait3A_305] : memref<32x256xf32, #tpu.memory_space<hbm>> -> memref<1x256xf32, #tpu.memory_space<hbm>>
    %dma_wait3A_307 = arith.constant 35700 : i32
    %dma_wait3A_308 = arith.constant 0 : i32
    %dma_wait3A_309 = tpu.memref_slice %arg0[%dma_wait3A_307, %dma_wait3A_308] : memref<50000x256xf32, #tpu.memory_space<hbm>> -> memref<1x256xf32, #tpu.memory_space<hbm>>
    tpu.wait_dma2 semaphore(%arg2 : memref<!tpu.dma_semaphore, #tpu.memory_space<semaphore_mem>>) src(%dma_wait3A_309 : memref<1x256xf32, #tpu.memory_space<hbm>>) dst(%dma_wait3A_306 : memref<1x256xf32, #tpu.memory_space<hbm>>)
    %dma_wait3A_310 = arith.constant 20 : i32
    %dma_wait3A_311 = arith.constant 0 : i32
    %dma_wait3A_312 = tpu.memref_slice %arg1[%dma_wait3A_310, %dma_wait3A_311] : memref<32x256xf32, #tpu.memory_space<hbm>> -> memref<1x256xf32, #tpu.memory_space<hbm>>
    %dma_wait3A_313 = arith.constant 36400 : i32
    %dma_wait3A_314 = arith.constant 0 : i32
    %dma_wait3A_315 = tpu.memref_slice %arg0[%dma_wait3A_313, %dma_wait3A_314] : memref<50000x256xf32, #tpu.memory_space<hbm>> -> memref<1x256xf32, #tpu.memory_space<hbm>>
    tpu.wait_dma2 semaphore(%arg2 : memref<!tpu.dma_semaphore, #tpu.memory_space<semaphore_mem>>) src(%dma_wait3A_315 : memref<1x256xf32, #tpu.memory_space<hbm>>) dst(%dma_wait3A_312 : memref<1x256xf32, #tpu.memory_space<hbm>>)
    %dma_wait3A_316 = arith.constant 21 : i32
    %dma_wait3A_317 = arith.constant 0 : i32
    %dma_wait3A_318 = tpu.memref_slice %arg1[%dma_wait3A_316, %dma_wait3A_317] : memref<32x256xf32, #tpu.memory_space<hbm>> -> memref<1x256xf32, #tpu.memory_space<hbm>>
    %dma_wait3A_319 = arith.constant 37100 : i32
    %dma_wait3A_320 = arith.constant 0 : i32
    %dma_wait3A_321 = tpu.memref_slice %arg0[%dma_wait3A_319, %dma_wait3A_320] : memref<50000x256xf32, #tpu.memory_space<hbm>> -> memref<1x256xf32, #tpu.memory_space<hbm>>
    tpu.wait_dma2 semaphore(%arg2 : memref<!tpu.dma_semaphore, #tpu.memory_space<semaphore_mem>>) src(%dma_wait3A_321 : memref<1x256xf32, #tpu.memory_space<hbm>>) dst(%dma_wait3A_318 : memref<1x256xf32, #tpu.memory_space<hbm>>)
    %dma_wait3A_322 = arith.constant 22 : i32
    %dma_wait3A_323 = arith.constant 0 : i32
    %dma_wait3A_324 = tpu.memref_slice %arg1[%dma_wait3A_322, %dma_wait3A_323] : memref<32x256xf32, #tpu.memory_space<hbm>> -> memref<1x256xf32, #tpu.memory_space<hbm>>
    %dma_wait3A_325 = arith.constant 37800 : i32
    %dma_wait3A_326 = arith.constant 0 : i32
    %dma_wait3A_327 = tpu.memref_slice %arg0[%dma_wait3A_325, %dma_wait3A_326] : memref<50000x256xf32, #tpu.memory_space<hbm>> -> memref<1x256xf32, #tpu.memory_space<hbm>>
    tpu.wait_dma2 semaphore(%arg2 : memref<!tpu.dma_semaphore, #tpu.memory_space<semaphore_mem>>) src(%dma_wait3A_327 : memref<1x256xf32, #tpu.memory_space<hbm>>) dst(%dma_wait3A_324 : memref<1x256xf32, #tpu.memory_space<hbm>>)
    %dma_wait3A_328 = arith.constant 23 : i32
    %dma_wait3A_329 = arith.constant 0 : i32
    %dma_wait3A_330 = tpu.memref_slice %arg1[%dma_wait3A_328, %dma_wait3A_329] : memref<32x256xf32, #tpu.memory_space<hbm>> -> memref<1x256xf32, #tpu.memory_space<hbm>>
    %dma_wait3A_331 = arith.constant 38500 : i32
    %dma_wait3A_332 = arith.constant 0 : i32
    %dma_wait3A_333 = tpu.memref_slice %arg0[%dma_wait3A_331, %dma_wait3A_332] : memref<50000x256xf32, #tpu.memory_space<hbm>> -> memref<1x256xf32, #tpu.memory_space<hbm>>
    tpu.wait_dma2 semaphore(%arg2 : memref<!tpu.dma_semaphore, #tpu.memory_space<semaphore_mem>>) src(%dma_wait3A_333 : memref<1x256xf32, #tpu.memory_space<hbm>>) dst(%dma_wait3A_330 : memref<1x256xf32, #tpu.memory_space<hbm>>)
    %dma_wait3A_334 = arith.constant 24 : i32
    %dma_wait3A_335 = arith.constant 0 : i32
    %dma_wait3A_336 = tpu.memref_slice %arg1[%dma_wait3A_334, %dma_wait3A_335] : memref<32x256xf32, #tpu.memory_space<hbm>> -> memref<1x256xf32, #tpu.memory_space<hbm>>
    %dma_wait3A_337 = arith.constant 39200 : i32
    %dma_wait3A_338 = arith.constant 0 : i32
    %dma_wait3A_339 = tpu.memref_slice %arg0[%dma_wait3A_337, %dma_wait3A_338] : memref<50000x256xf32, #tpu.memory_space<hbm>> -> memref<1x256xf32, #tpu.memory_space<hbm>>
    tpu.wait_dma2 semaphore(%arg2 : memref<!tpu.dma_semaphore, #tpu.memory_space<semaphore_mem>>) src(%dma_wait3A_339 : memref<1x256xf32, #tpu.memory_space<hbm>>) dst(%dma_wait3A_336 : memref<1x256xf32, #tpu.memory_space<hbm>>)
    %dma_wait3A_340 = arith.constant 25 : i32
    %dma_wait3A_341 = arith.constant 0 : i32
    %dma_wait3A_342 = tpu.memref_slice %arg1[%dma_wait3A_340, %dma_wait3A_341] : memref<32x256xf32, #tpu.memory_space<hbm>> -> memref<1x256xf32, #tpu.memory_space<hbm>>
    %dma_wait3A_343 = arith.constant 39900 : i32
    %dma_wait3A_344 = arith.constant 0 : i32
    %dma_wait3A_345 = tpu.memref_slice %arg0[%dma_wait3A_343, %dma_wait3A_344] : memref<50000x256xf32, #tpu.memory_space<hbm>> -> memref<1x256xf32, #tpu.memory_space<hbm>>
    tpu.wait_dma2 semaphore(%arg2 : memref<!tpu.dma_semaphore, #tpu.memory_space<semaphore_mem>>) src(%dma_wait3A_345 : memref<1x256xf32, #tpu.memory_space<hbm>>) dst(%dma_wait3A_342 : memref<1x256xf32, #tpu.memory_space<hbm>>)
    %dma_wait3A_346 = arith.constant 26 : i32
    %dma_wait3A_347 = arith.constant 0 : i32
    %dma_wait3A_348 = tpu.memref_slice %arg1[%dma_wait3A_346, %dma_wait3A_347] : memref<32x256xf32, #tpu.memory_space<hbm>> -> memref<1x256xf32, #tpu.memory_space<hbm>>
    %dma_wait3A_349 = arith.constant 40600 : i32
    %dma_wait3A_350 = arith.constant 0 : i32
    %dma_wait3A_351 = tpu.memref_slice %arg0[%dma_wait3A_349, %dma_wait3A_350] : memref<50000x256xf32, #tpu.memory_space<hbm>> -> memref<1x256xf32, #tpu.memory_space<hbm>>
    tpu.wait_dma2 semaphore(%arg2 : memref<!tpu.dma_semaphore, #tpu.memory_space<semaphore_mem>>) src(%dma_wait3A_351 : memref<1x256xf32, #tpu.memory_space<hbm>>) dst(%dma_wait3A_348 : memref<1x256xf32, #tpu.memory_space<hbm>>)
    %dma_wait3A_352 = arith.constant 27 : i32
    %dma_wait3A_353 = arith.constant 0 : i32
    %dma_wait3A_354 = tpu.memref_slice %arg1[%dma_wait3A_352, %dma_wait3A_353] : memref<32x256xf32, #tpu.memory_space<hbm>> -> memref<1x256xf32, #tpu.memory_space<hbm>>
    %dma_wait3A_355 = arith.constant 41300 : i32
    %dma_wait3A_356 = arith.constant 0 : i32
    %dma_wait3A_357 = tpu.memref_slice %arg0[%dma_wait3A_355, %dma_wait3A_356] : memref<50000x256xf32, #tpu.memory_space<hbm>> -> memref<1x256xf32, #tpu.memory_space<hbm>>
    tpu.wait_dma2 semaphore(%arg2 : memref<!tpu.dma_semaphore, #tpu.memory_space<semaphore_mem>>) src(%dma_wait3A_357 : memref<1x256xf32, #tpu.memory_space<hbm>>) dst(%dma_wait3A_354 : memref<1x256xf32, #tpu.memory_space<hbm>>)
    %dma_wait3A_358 = arith.constant 28 : i32
    %dma_wait3A_359 = arith.constant 0 : i32
    %dma_wait3A_360 = tpu.memref_slice %arg1[%dma_wait3A_358, %dma_wait3A_359] : memref<32x256xf32, #tpu.memory_space<hbm>> -> memref<1x256xf32, #tpu.memory_space<hbm>>
    %dma_wait3A_361 = arith.constant 42000 : i32
    %dma_wait3A_362 = arith.constant 0 : i32
    %dma_wait3A_363 = tpu.memref_slice %arg0[%dma_wait3A_361, %dma_wait3A_362] : memref<50000x256xf32, #tpu.memory_space<hbm>> -> memref<1x256xf32, #tpu.memory_space<hbm>>
    tpu.wait_dma2 semaphore(%arg2 : memref<!tpu.dma_semaphore, #tpu.memory_space<semaphore_mem>>) src(%dma_wait3A_363 : memref<1x256xf32, #tpu.memory_space<hbm>>) dst(%dma_wait3A_360 : memref<1x256xf32, #tpu.memory_space<hbm>>)
    %dma_wait3A_364 = arith.constant 29 : i32
    %dma_wait3A_365 = arith.constant 0 : i32
    %dma_wait3A_366 = tpu.memref_slice %arg1[%dma_wait3A_364, %dma_wait3A_365] : memref<32x256xf32, #tpu.memory_space<hbm>> -> memref<1x256xf32, #tpu.memory_space<hbm>>
    %dma_wait3A_367 = arith.constant 42700 : i32
    %dma_wait3A_368 = arith.constant 0 : i32
    %dma_wait3A_369 = tpu.memref_slice %arg0[%dma_wait3A_367, %dma_wait3A_368] : memref<50000x256xf32, #tpu.memory_space<hbm>> -> memref<1x256xf32, #tpu.memory_space<hbm>>
    tpu.wait_dma2 semaphore(%arg2 : memref<!tpu.dma_semaphore, #tpu.memory_space<semaphore_mem>>) src(%dma_wait3A_369 : memref<1x256xf32, #tpu.memory_space<hbm>>) dst(%dma_wait3A_366 : memref<1x256xf32, #tpu.memory_space<hbm>>)
    %dma_wait3A_370 = arith.constant 30 : i32
    %dma_wait3A_371 = arith.constant 0 : i32
    %dma_wait3A_372 = tpu.memref_slice %arg1[%dma_wait3A_370, %dma_wait3A_371] : memref<32x256xf32, #tpu.memory_space<hbm>> -> memref<1x256xf32, #tpu.memory_space<hbm>>
    %dma_wait3A_373 = arith.constant 43400 : i32
    %dma_wait3A_374 = arith.constant 0 : i32
    %dma_wait3A_375 = tpu.memref_slice %arg0[%dma_wait3A_373, %dma_wait3A_374] : memref<50000x256xf32, #tpu.memory_space<hbm>> -> memref<1x256xf32, #tpu.memory_space<hbm>>
    tpu.wait_dma2 semaphore(%arg2 : memref<!tpu.dma_semaphore, #tpu.memory_space<semaphore_mem>>) src(%dma_wait3A_375 : memref<1x256xf32, #tpu.memory_space<hbm>>) dst(%dma_wait3A_372 : memref<1x256xf32, #tpu.memory_space<hbm>>)
    %dma_wait3A_376 = arith.constant 31 : i32
    %dma_wait3A_377 = arith.constant 0 : i32
    %dma_wait3A_378 = tpu.memref_slice %arg1[%dma_wait3A_376, %dma_wait3A_377] : memref<32x256xf32, #tpu.memory_space<hbm>> -> memref<1x256xf32, #tpu.memory_space<hbm>>
    %dma_wait3A_379 = arith.constant 44100 : i32
    %dma_wait3A_380 = arith.constant 0 : i32
    %dma_wait3A_381 = tpu.memref_slice %arg0[%dma_wait3A_379, %dma_wait3A_380] : memref<50000x256xf32, #tpu.memory_space<hbm>> -> memref<1x256xf32, #tpu.memory_space<hbm>>
    tpu.wait_dma2 semaphore(%arg2 : memref<!tpu.dma_semaphore, #tpu.memory_space<semaphore_mem>>) src(%dma_wait3A_381 : memref<1x256xf32, #tpu.memory_space<hbm>>) dst(%dma_wait3A_378 : memref<1x256xf32, #tpu.memory_space<hbm>>)
    return
  }
}

</mosaic_0001>

<sc_bundles>
// kernel: kernel.4.cloned.1.call-start
scs
__scs_entry_jumppad:
0x0: {  	(pc) =	sbr.rel $0x88, $3  }
0x1: {  	(tag) =	ssettag $0x0;
	lr =	simm.s32 $0x1  }
0x2: {  	[smem:$0x3FA0] =	sst lr;
	_ =	strace $0xD0000000  }
0x3: {  	_ = 	snop  }
0x4: {  	_ = 	snop  }
0x5: {  	_ = 	snop  }
0x6: {  	_ = 	snop  }
0x7: {  	_ = 	snop  }
__scs_overlays_trampoline_lowered:
0x8: {  	[smem:$0x3FAF] =	sst s0  }
0x9: {  	[smem:$0x3FB0] =	sst s1  }
0xa: {  	[smem:$0x3FB1] =	sst s2  }
0xb: {  	[smem:$0x3FB2] =	sst s3  }
0xc: {  	[smem:$0x3FB3] =	sst s4  }
0xd: {  	[smem:$0x3FB4] =	sst s5  }
0xe: {  	[smem:$0x3FB5] =	sst s6  }
0xf: {  	[smem:$0x3FB6] =	sst s7  }
0x10: {  	[smem:$0x3FB7] =	sst s8  }
0x11: {  	[smem:$0x3FB8] =	sst s9;
	s0 =	simm.s32 @!p0 $0x0  }
0x12: {  	s1 =	sld [smem:$0x3F9E];
	s0 =	simm.s32 @p0 $0x1  }
0x13: {  	[smem:$0x3FB9] =	sst s0;
	s0 =	simm.s32 @!p1 $0x0  }
0x14: {  	s2 =	sld [smem:$0x3F9D];
	s0 =	simm.s32 @p1 $0x1  }
0x15: {  	[smem:$0x3FBA] =	sst s0;
	s0 =	simm.s32 @!p2 $0x0  }
0x16: {  	s3 =	sld [smem:$0x3FDB];
	s0 =	simm.s32 @p2 $0x1  }
0x17: {  	s4 =	simm.s32 $0x1BF5;
	[smem:$0x3FBC] =	sst s0  }
0x18: {  	s0 =	sld [smem:$0x3F9F];
	_ =	swait.ge [sflag:s4], $0x0  }
0x19: {  	s7 =	sld [smem:$0x3FA0]  }
0x1a: {  	s8 =	sadd.s32 $0xFFFFE003, lr  }
0x1b: {  	s9 =	sadd.s32 $0xFFFFFEF7, lr;
	s5 =	simm.s32 $0xFFFFFFFF;
	p2 =	slt.u32 s8, $0xFFFFF086  }
0x1c: {  	p1 =	slt.u32 s9, $0xF7A;
	s5 =	simm.s32 @!p2 $0x0  }
0x1d: {  	s5 =	simm.s32 @p1 $0x1;
	p0 =	seq.s32 s7, s2  }
0x1e: {  	s7 =	smul.u32 @!p0 $0xF7A, s2;
	p2 =	seq.s32 @!p0 s5, $0x0  }
0x1f: {  	s9 =	smul.u32 $0xF7A, s1;
	s8 =	simm.s32 @!p0 $0x1BF5;
	p2 =	por !p2, p0  }
0x20: {  	[sflag:s8] =	ssyncset.s32 @!p0 $0xFFFFF086;
	s6 =	sadd.s32 @!p0 s3, s7;
	s7 =	simm.s32 @!p0 $0x108  }
0x21: {  	s3 =	sadd.s32 s3, s9;
	s6 =	sadd.s32 @!p0 $0x88, s6;
	s7 =	simm.s32 @p2 $0x1082  }
0x22: {  	[simem:s7], [sflag:s8] =	dma.local @!p0 [hbm:s6], $0xF7A  }
0x23: {  	s9 =	sor.u32 $0xD0000000, s2;
	s6 =	simm.s32 $0x108;
	_ =	swait.ge @!p0 [sflag:s8], $0x0  }
0x24: {  	s3 =	sadd.s32 $0x88, s3;
	s6 =	simm.s32 @!p1 $0x1082;
	[sflag:s4] =	ssyncset.s32 $0xFFFFF086  }
0x25: {  	[simem:s6], [sflag:s4] =	dma.local [hbm:s3], $0xF7A  }
0x26: {  	[smem:$0x3FA0] =	sst s1;
	(tag) =	ssettag s2;
	_ =	strace s9  }
0x27: {  	s1 =	sld [smem:$0x3FB0]  }
0x28: {  	s2 =	sld [smem:$0x3FB1]  }
0x29: {  	s4 =	sld [smem:$0x3FB3]  }
0x2a: {  	p0 =	seq.s32 s5, $0x0;
	s5 =	sld [smem:$0x3FB4]  }
0x2b: {  	s6 =	sld [smem:$0x3FB5]  }
0x2c: {  	s7 =	sld [smem:$0x3FB6]  }
0x2d: {  	s3 =	simm.s32 $0x108;
	s8 =	sld [smem:$0x3FB7]  }
0x2e: {  	s3 =	simm.s32 @!p0 $0x1082;
	s9 =	sld [smem:$0x3FB8]  }
0x2f: {  	lr =	sadd.s32 s0, s3;
	s0 =	sld [smem:$0x3FAF]  }
0x30: {  	s3 =	sld [smem:$0x3FB2]  }
0x31: {  	[smem:$0x3FBB] =	sst s10  }
0x32: {  	s10 =	sld [smem:$0x3FB9];
	_ =	sdelay $0x3  }
0x33: {  	p0 =	seq.s32 s10, $0x1;
	s10 =	sld [smem:$0x3FBB];
	_ =	sdelay $0x3  }
0x34: {  	[smem:$0x3FBB] =	sst s10  }
0x35: {  	s10 =	sld [smem:$0x3FBA];
	_ =	sdelay $0x3  }
0x36: {  	p1 =	seq.s32 s10, $0x1;
	s10 =	sld [smem:$0x3FBB];
	_ =	sdelay $0x3  }
0x37: {  	[smem:$0x3FBB] =	sst s10  }
0x38: {  	s10 =	sld [smem:$0x3FBC]  }
0x39: {  	_ = 	snop;
	(pc) =	sbr.ind lr, $3  }
0x3a: {  	_ = 	snop  }
0x3b: {  	_ = 	snop  }
0x3c: {  	p2 =	seq.s32 s10, $0x1;
	s10 =	sld [smem:$0x3FBB]  }
0x3d: {  	_ =	shalt  }
0x3e: {  	_ =	shalt  }
0x3f: {  	_ =	shalt  }
0x40: {  	_ =	shalt  }
0x41: {  	_ =	shalt  }
0x42: {  	_ =	shalt  }
0x43: {  	_ =	shalt  }
0x44: {  	_ =	shalt  }
0x45: {  	_ =	shalt  }
0x46: {  	_ =	shalt  }
0x47: {  	_ =	shalt  }
0x48: {  	_ =	shalt  }
0x49: {  	_ =	shalt  }
0x4a: {  	_ =	shalt  }
0x4b: {  	_ =	shalt  }
0x4c: {  	_ =	shalt  }
0x4d: {  	_ =	shalt  }
0x4e: {  	_ =	shalt  }
0x4f: {  	_ =	shalt  }
0x50: {  	_ =	shalt  }
0x51: {  	_ =	shalt  }
0x52: {  	_ =	shalt  }
0x53: {  	_ =	shalt  }
0x54: {  	_ =	shalt  }
0x55: {  	_ =	shalt  }
0x56: {  	_ =	shalt  }
0x57: {  	_ =	shalt  }
0x58: {  	_ =	shalt  }
0x59: {  	_ =	shalt  }
0x5a: {  	_ =	shalt  }
0x5b: {  	_ =	shalt  }
0x5c: {  	_ =	shalt  }
0x5d: {  	_ =	shalt  }
0x5e: {  	_ =	shalt  }
0x5f: {  	_ =	shalt  }
0x60: {  	_ =	shalt  }
0x61: {  	_ =	shalt  }
0x62: {  	_ =	shalt  }
0x63: {  	_ =	shalt  }
0x64: {  	_ =	shalt  }
0x65: {  	_ =	shalt  }
0x66: {  	_ =	shalt  }
0x67: {  	_ =	shalt  }
0x68: {  	_ =	shalt  }
0x69: {  	_ =	shalt  }
0x6a: {  	_ =	shalt  }
0x6b: {  	_ =	shalt  }
0x6c: {  	_ =	shalt  }
0x6d: {  	_ =	shalt  }
0x6e: {  	_ =	shalt  }
0x6f: {  	_ =	shalt  }
0x70: {  	_ =	shalt  }
0x71: {  	_ =	shalt  }
0x72: {  	_ =	shalt  }
0x73: {  	_ =	shalt  }
0x74: {  	_ =	shalt  }
0x75: {  	_ =	shalt  }
0x76: {  	_ =	shalt  }
0x77: {  	_ =	shalt  }
0x78: {  	_ =	shalt  }
0x79: {  	_ =	shalt  }
0x7a: {  	_ =	shalt  }
0x7b: {  	_ =	shalt  }
0x7c: {  	_ =	shalt  }
0x7d: {  	_ =	shalt  }
0x7e: {  	_ =	shalt  }
0x7f: {  	_ =	shalt  }
0x80: {  	_ =	shalt  }
0x81: {  	_ =	shalt  }
0x82: {  	_ =	shalt  }
0x83: {  	_ =	shalt  }
0x84: {  	_ =	shalt  }
0x85: {  	_ =	shalt  }
0x86: {  	_ =	shalt  }
0x87: {  	_ =	shalt  }
.Lfunc_end0:
.L_simem_size_0:
called_computation_lowered:
.L_overlay_start_0:
0x88: {  	s2 =	sld [smem:$0x3FD9]  }
0x89: {  	s3 =	sld [smem:$0x3FFE];
	_ =	sdelay $0x1  }
0x8a: {  	s1 =	srdreg.scid  }
0x8b: {  	s0 =	sand.u32 $0x1, s1  }
0x8c: {  	s16 =	sshll.u32 s0, $0xA;
	s2 =	sadd.s32 s3, s2  }
0x8d: {  	s2 =	sadd.s32 s2, s16  }
0x8e: {  	[smem:$0x3FC7] =	sst s2  }
0x8f: {  	_ = 	snop  }
0x90: {  	s2 =	simm.s32 $0x0;
	s5 =	sld [smem:$0x3FC9]  }
0x91: {  	[smem:$0xF] =	sst s2  }
0x92: {  	s3 =	sld [smem:$0x3FD0];
	(tm) =	ssettm $0x1  }
0x93: {  	s4 =	sld [smem:$0x3FFB];
	_ =	sdelay $0x3  }
0x94: {  	_ =	strace s4  }
0x95: {  	s4 =	sld [smem:$0x3FFC];
	_ =	sdelay $0x2  }
0x96: {  	s17 =	simm.s32 $0x1B8B  }
0x97: {  	s18 =	simm.s32 $0x1B8E;
	s7 =	simm.s32 $0x1;
	_ =	strace s4  }
0x98: {  	s8 =	simm.s32 $0x80;
	s20 =	simm.s32 $0x10;
	s4 =	sld [smem:$0x3FFD]  }
0x99: {  	s22 =	simm.s32 $0x20;
	s24 =	simm.s32 $0x30;
	s26 =	simm.s32 $0x40  }
0x9a: {  	s29 =	simm.s32 $0x50;
	s31 =	simm.s32 $0x60;
	s9 =	smul.u32 $0x2BC000, s0  }
0x9b: {  	s11 =	simm.s32 $0x70;
	s13 =	simm.s32 $0x100;
	s6 =	smul.u32 $0x57800, s0  }
0x9c: {  	s15 =	simm.s32 $0x110;
	s19 =	sshrl.u32 s9, $0x3;
	_ =	strace s4  }
0x9d: {  	s6 =	sadd.s32 s6, s5;
	s5 =	sadd.s32 s5, s19;
	_ =	strace $0x8FFFFFFF  }
0x9e: {  	s19 =	simm.s32 $0x130;
	s21 =	sadd.s32 $0xAF00, s5;
	_ =	swait.ge [sflag:s17], $0x1  }
0x9f: {  	s23 =	sadd.s32 $0x10640, s5;
	s25 =	sadd.s32 $0x15E00, s5;
	[sflag:s17] =	ssyncset.done $0x0  }
0xa0: {  	s28 =	sadd.s32 $0x1B540, s5;
	s30 =	sadd.s32 $0x20D00, s5;
	[sflag:s17] =	ssyncadd.s32 $0xFFFFFFFF  }
0xa1: {  	s10 =	sadd.s32 $0x26440, s5;
	s12 =	sadd.s32 $0x2BC00, s5;
	[smem:$0x3FD2] =	sst s18  }
0xa2: {  	s14 =	sadd.s32 $0x31340, s5;
	s4 =	simm.s32 $0x9;
	_ =	strace $0x80000046  }
0xa3: {  	[spmem:s2@s8], [sflag:s4] =	dma.strided [hbm:s6@s8], $0x20, s7, $0x10   }
0xa4: {  	s16 =	sadd.s32 $0x36B00, s5;
	s17 =	simm.s32 $0x120;
	s6 =	sadd.s32 $0x5740, s5  }
0xa5: {  	[spmem:s20@s8], [sflag:s4] =	dma.strided [hbm:s6@s8], $0x20, s7, $0x10   }
0xa6: {  	[spmem:s22@s8], [sflag:s4] =	dma.strided [hbm:s21@s8], $0x20, s7, $0x10   }
0xa7: {  	s18 =	sadd.s32 $0x3C240, s5;
	s20 =	sadd.s32 $0x41A00, s5;
	s21 =	simm.s32 $0x140  }
0xa8: {  	[spmem:s24@s8], [sflag:s4] =	dma.strided [hbm:s23@s8], $0x20, s7, $0x10   }
0xa9: {  	s22 =	sadd.s32 $0x47140, s5;
	s23 =	simm.s32 $0x150;
	s24 =	sadd.s32 $0x4C900, s5  }
0xaa: {  	[spmem:s26@s8], [sflag:s4] =	dma.strided [hbm:s25@s8], $0x20, s7, $0x10   }
0xab: {  	s5 =	sadd.s32 $0x52040, s5;
	s25 =	simm.s32 $0x160;
	s26 =	simm.s32 $0x170  }
0xac: {  	[spmem:s29@s8], [sflag:s4] =	dma.strided [hbm:s28@s8], $0x20, s7, $0x10   }
0xad: {  	[spmem:s31@s8], [sflag:s4] =	dma.strided [hbm:s30@s8], $0x20, s7, $0x10   }
0xae: {  	[spmem:s11@s8], [sflag:s4] =	dma.strided [hbm:s10@s8], $0x20, s7, $0x10   }
0xaf: {  	[spmem:s13@s8], [sflag:s4] =	dma.strided [hbm:s12@s8], $0x20, s7, $0x10   }
0xb0: {  	[spmem:s15@s8], [sflag:s4] =	dma.strided [hbm:s14@s8], $0x20, s7, $0x10   }
0xb1: {  	[spmem:s17@s8], [sflag:s4] =	dma.strided [hbm:s16@s8], $0x20, s7, $0x10   }
0xb2: {  	[spmem:s19@s8], [sflag:s4] =	dma.strided [hbm:s18@s8], $0x20, s7, $0x10   }
0xb3: {  	[spmem:s21@s8], [sflag:s4] =	dma.strided [hbm:s20@s8], $0x20, s7, $0x10   }
0xb4: {  	[spmem:s23@s8], [sflag:s4] =	dma.strided [hbm:s22@s8], $0x20, s7, $0x10   }
0xb5: {  	[spmem:s25@s8], [sflag:s4] =	dma.strided [hbm:s24@s8], $0x20, s7, $0x10   }
0xb6: {  	[spmem:s26@s8], [sflag:s4] =	dma.strided [hbm:s5@s8], $0x20, s7, $0x10   }
0xb7: {  	_ =	swait.ge [sflag:s4], $0x20  }
0xb8: {  	[sflag:s4] =	ssyncset.done $0x0  }
0xb9: {  	[sflag:s4] =	ssyncadd.s32 $0xFFFFFFE0;
	_ =	sdelay $0x2  }
0xba: {  	_ =	swait.ge [sflag:s4], $0x20  }
0xbb: {  	[sflag:s4] =	ssyncset.done $0x0  }
0xbc: {  	[sflag:s4] =	ssyncadd.s32 $0xFFFFFFE0;
	_ =	sdelay $0x2  }
0xbd: {  	_ =	swait.ge [sflag:s4], $0x20  }
0xbe: {  	[sflag:s4] =	ssyncset.done $0x0  }
0xbf: {  	[sflag:s4] =	ssyncadd.s32 $0xFFFFFFE0;
	_ =	sdelay $0x2  }
0xc0: {  	_ =	swait.ge [sflag:s4], $0x20  }
0xc1: {  	[sflag:s4] =	ssyncset.done $0x0  }
0xc2: {  	[sflag:s4] =	ssyncadd.s32 $0xFFFFFFE0;
	_ =	sdelay $0x2  }
0xc3: {  	_ =	swait.ge [sflag:s4], $0x20  }
0xc4: {  	[sflag:s4] =	ssyncset.done $0x0  }
0xc5: {  	[sflag:s4] =	ssyncadd.s32 $0xFFFFFFE0;
	_ =	sdelay $0x2  }
0xc6: {  	_ =	swait.ge [sflag:s4], $0x20  }
0xc7: {  	[sflag:s4] =	ssyncset.done $0x0  }
0xc8: {  	[sflag:s4] =	ssyncadd.s32 $0xFFFFFFE0;
	_ =	sdelay $0x2  }
0xc9: {  	_ =	swait.ge [sflag:s4], $0x20  }
0xca: {  	[sflag:s4] =	ssyncset.done $0x0  }
0xcb: {  	[sflag:s4] =	ssyncadd.s32 $0xFFFFFFE0;
	_ =	sdelay $0x2  }
0xcc: {  	_ =	swait.ge [sflag:s4], $0x20  }
0xcd: {  	[sflag:s4] =	ssyncset.done $0x0  }
0xce: {  	[sflag:s4] =	ssyncadd.s32 $0xFFFFFFE0;
	_ =	sdelay $0x2  }
0xcf: {  	_ =	swait.ge [sflag:s4], $0x20  }
0xd0: {  	[sflag:s4] =	ssyncset.done $0x0  }
0xd1: {  	[sflag:s4] =	ssyncadd.s32 $0xFFFFFFE0;
	_ =	sdelay $0x2  }
0xd2: {  	_ =	swait.ge [sflag:s4], $0x20  }
0xd3: {  	[sflag:s4] =	ssyncset.done $0x0  }
0xd4: {  	[sflag:s4] =	ssyncadd.s32 $0xFFFFFFE0;
	_ =	sdelay $0x2  }
0xd5: {  	_ =	swait.ge [sflag:s4], $0x20  }
0xd6: {  	[sflag:s4] =	ssyncset.done $0x0  }
0xd7: {  	[sflag:s4] =	ssyncadd.s32 $0xFFFFFFE0;
	_ =	sdelay $0x2  }
0xd8: {  	_ =	swait.ge [sflag:s4], $0x20  }
0xd9: {  	[sflag:s4] =	ssyncset.done $0x0  }
0xda: {  	[sflag:s4] =	ssyncadd.s32 $0xFFFFFFE0;
	_ =	sdelay $0x2  }
0xdb: {  	_ =	swait.ge [sflag:s4], $0x20  }
0xdc: {  	[sflag:s4] =	ssyncset.done $0x0  }
0xdd: {  	[sflag:s4] =	ssyncadd.s32 $0xFFFFFFE0;
	_ =	sdelay $0x2  }
0xde: {  	_ =	swait.ge [sflag:s4], $0x20  }
0xdf: {  	[sflag:s4] =	ssyncset.done $0x0  }
0xe0: {  	[sflag:s4] =	ssyncadd.s32 $0xFFFFFFE0;
	_ =	sdelay $0x2  }
0xe1: {  	_ =	swait.ge [sflag:s4], $0x20  }
0xe2: {  	[sflag:s4] =	ssyncset.done $0x0  }
0xe3: {  	[sflag:s4] =	ssyncadd.s32 $0xFFFFFFE0;
	_ =	sdelay $0x2  }
0xe4: {  	_ =	swait.ge [sflag:s4], $0x20  }
0xe5: {  	[sflag:s4] =	ssyncset.done $0x0  }
0xe6: {  	s28 =	sshll.u32 s0, $0x9;
	[sflag:s4] =	ssyncadd.s32 $0xFFFFFFE0  }
0xe7: {  	s29 =	simm.s32 $0xA;
	s3 =	sadd.s32 s28, s3  }
0xe8: {  	[hbm:s3], [sflag:s29] =	dma.local [spmem:s2], $0x200  }
0xe9: {  	_ =	swait.ge [sflag:s29], $0x200  }
0xea: {  	[sflag:s29] =	ssyncset.done $0x0  }
0xeb: {  	[sflag:s29] =	ssyncadd.s32 $0xFFFFFE00  }
0xec: {  	_ =	strace $0x90000046  }
0xed: {  	_ =	sfence  }
0xee: {  	s30 =	sld [smem:$0x0];
	_ =	sdelay $0x2  }
0xef: {  	s31 =	sshll.u32 s1, $0xD;
	s1 =	sshrl.u32 s1, $0x2  }
0xf0: {  	s3 =	sand.u32 $0x4000, s31;
	s1 =	sadd.s32 s1, s30  }
0xf1: {  	s0 =	sor.u32 s3, s0;
	s1 =	sshll.u32 s1, $0x11  }
0xf2: {  	s0 =	sor.u32 s1, s0  }
0xf3: {  	s0 =	sadd.s32 $0x8F2B, s0;
	(pc) =	sbr.abs _section_cstart, $3  }
0xf4: {  	[sflag:s0] =	ssyncadd.remote.s32 $0x1  }
0xf5: {  	_ =	strace $0x9FFFFFFF  }
0xf6: {  	(tm) =	ssettm $0x7FFFFFFF  }
0xf7: {  	_ =	shalt  }

</sc_bundles>
